<compile_context>
chip_gen: v7x
topology: tpu7x:2x2x1
jax: 0.10.2.dev20260603
libtpu: 0.0.44.dev20260713+nightly
codegen_flags: <defaults>
</compile_context>

<pallas_src>
import jax
import jax.numpy as jnp
from jax import lax
from jax.experimental import pallas as pl
from jax.experimental.pallas import tpu as pltpu
from jax.experimental.pallas import tpu_sc as plsc

B = 16384
K = 32
NC, NS, L = 2, 16, 16
NW = NC * NS
CHUNK = B // NW
IDX_W = 128
IDX_ROWS = CHUNK // IDX_W
GROUPS = CHUNK // L
GLOBAL_MEAN = 3.5


def _mf_body(uid_hbm, iid_hbm, w_hbm, u_hbm, bu_hbm, bi_hbm, out_hbm,
             uid_v, iid_v, wrows_v, urows_v, bu_v, bi_v, out_v, sem):
    wid = lax.axis_index("s") * NC + lax.axis_index("c")
    row0 = wid * IDX_ROWS
    pltpu.sync_copy(uid_hbm.at[pl.ds(row0, IDX_ROWS)], uid_v)
    pltpu.sync_copy(iid_hbm.at[pl.ds(row0, IDX_ROWS)], iid_v)

    copies = []
    for j in range(IDX_ROWS):
        sl = pl.ds(j * IDX_W, IDX_W)
        copies.append(pltpu.async_copy(w_hbm.at[uid_v.at[j]], wrows_v.at[sl], sem))
        copies.append(pltpu.async_copy(u_hbm.at[iid_v.at[j]], urows_v.at[sl], sem))
        copies.append(pltpu.async_copy(bu_hbm.at[uid_v.at[j]], bu_v.at[sl], sem))
        copies.append(pltpu.async_copy(bi_hbm.at[iid_v.at[j]], bi_v.at[sl], sem))
    for c in copies:
        c.wait()

    lane = lax.iota(jnp.int32, L)

    def group(g, carry):
        o = g * L
        rid = o + lane
        acc = bu_v[pl.ds(o, L)] + bi_v[pl.ds(o, L)] + jnp.float32(GLOBAL_MEAN)
        for k in range(K):
            kv = jnp.full((L,), k, jnp.int32)
            acc = acc + (plsc.load_gather(wrows_v, [rid, kv]) *
                         plsc.load_gather(urows_v, [rid, kv]))
        out_v[pl.ds(o, L)] = acc
        return carry

    lax.fori_loop(0, GROUPS, group, 0)
    pltpu.sync_copy(out_v, out_hbm.at[pl.ds(wid * CHUNK, CHUNK)])


def kernel(user_ids, item_ids, W, U, bias_user, bias_item):
    uid2 = user_ids.astype(jnp.int32).reshape(NW * IDX_ROWS, IDX_W)
    iid2 = item_ids.astype(jnp.int32).reshape(NW * IDX_ROWS, IDX_W)
    mesh = plsc.VectorSubcoreMesh(core_axis_name="c", subcore_axis_name="s",
                                  num_cores=NC, num_subcores=NS)
    f = pl.kernel(
        _mf_body,
        out_type=jax.ShapeDtypeStruct((B,), jnp.float32),
        mesh=mesh,
        compiler_params=pltpu.CompilerParams(needs_layout_passes=False,
                                             use_tc_tiling_on_sc=False),
        scratch_types=[
            pltpu.VMEM((IDX_ROWS, IDX_W), jnp.int32),
            pltpu.VMEM((IDX_ROWS, IDX_W), jnp.int32),
            pltpu.VMEM((CHUNK, K), jnp.float32),
            pltpu.VMEM((CHUNK, K), jnp.float32),
            pltpu.VMEM((CHUNK,), jnp.float32),
            pltpu.VMEM((CHUNK,), jnp.float32),
            pltpu.VMEM((CHUNK,), jnp.float32),
            pltpu.SemaphoreType.DMA,
        ],
    )
    return f(uid2, iid2, W, U, bias_user, bias_item)

# --- scband reference (transcript-rebuilt; emitter-appended) ---
"""Pipeline reference for scband-torch-matrix-factorization-model-3942779977967 (READ-ONLY COPY).

The authoritative reference and input builder live on the scoring server;
editing this copy changes nothing except your own understanding.
"""

import jax, jax.numpy as jnp
import numpy as np

N_USERS = 1000000
N_ITEMS = 100000
K = 32
BATCH = 16384
GLOBAL_MEAN = 3.5

def setup_inputs(seed: int = 0) -> dict:
    key = jax.random.key(seed)
    k1, k2, k3, k4 = jax.random.split(key, 4)
    user_ids = jax.random.randint(k1, (BATCH,), 0, N_USERS, dtype=jnp.int64 if jax.config.jax_enable_x64 else jnp.int32)
    item_ids = jax.random.randint(k2, (BATCH,), 0, N_ITEMS, dtype=jnp.int64 if jax.config.jax_enable_x64 else jnp.int32)
    W = jax.random.normal(k3, (N_USERS, K), dtype=jnp.float32)
    U = jax.random.normal(k4, (N_ITEMS, K), dtype=jnp.float32)
    bias_user = jnp.zeros((N_USERS,), dtype=jnp.float32)
    bias_item = jnp.zeros((N_ITEMS,), dtype=jnp.float32)
    return {"user_ids": user_ids, "item_ids": item_ids, "W": W, "U": U,
            "bias_user": bias_user, "bias_item": bias_item}

def reference(user_ids, item_ids, W, U, bias_user, bias_item):
    # Embedding lookups (gather)
    wu_vec = jnp.take(W, user_ids, axis=0)   # [B, K]
    iu_vec = jnp.take(U, item_ids, axis=0)   # [B, K]
    # einsum('ij,ij->i')
    wu = jnp.sum(wu_vec * iu_vec, axis=1)    # [B]
    out = jnp.take(bias_user, user_ids, axis=0) + jnp.take(bias_item, item_ids, axis=0) + jnp.float32(GLOBAL_MEAN) + wu
    return out

if __name__ == "__main__":
    import jax
    _d = setup_inputs()
    print(jax.jit(kernel)(*tuple(_d.values())))

</pallas_src>

<mosaic_0001>
#map = affine_map<(d0, d1) -> (0, 0)>
#map1 = affine_map<(d0, d1) -> (0)>
module attributes {stable_mosaic.version = 14 : i64} {
  func.func @_mf_body(%arg0: i32, %arg1: i32, %arg2: memref<128x128xi32, #tpu.memory_space<hbm>>, %arg3: memref<128x128xi32, #tpu.memory_space<hbm>>, %arg4: memref<1000000x32xf32, #tpu.memory_space<hbm>>, %arg5: memref<100000x32xf32, #tpu.memory_space<hbm>>, %arg6: memref<1000000xf32, #tpu.memory_space<hbm>>, %arg7: memref<100000xf32, #tpu.memory_space<hbm>>, %arg8: memref<16384xf32, #tpu.memory_space<hbm>>, %arg9: memref<4x128xi32, #tpu.memory_space<vmem>>, %arg10: memref<4x128xi32, #tpu.memory_space<vmem>>, %arg11: memref<512x32xf32, #tpu.memory_space<vmem>>, %arg12: memref<512x32xf32, #tpu.memory_space<vmem>>, %arg13: memref<512xf32, #tpu.memory_space<vmem>>, %arg14: memref<512xf32, #tpu.memory_space<vmem>>, %arg15: memref<512xf32, #tpu.memory_space<vmem>>, %arg16: memref<!tpu.dma_semaphore, #tpu.memory_space<semaphore_mem>>) attributes {dimension_semantics = [#tpu.dimension_semantics<core_parallel>, #tpu.dimension_semantics<subcore_parallel>], iteration_bounds = array<i64: 2, 16>, scalar_prefetch = 0 : i64, scratch_operands = 8 : i64, tpu.core_type = #tpu.core_type<sc_vector_subcore>, window_params = [{transform_indices = #map}, {transform_indices = #map}, {transform_indices = #map}, {transform_indices = #map}, {transform_indices = #map1}, {transform_indices = #map1}, {transform_indices = #map1}]} {
    %mul3A = arith.constant 2 : i32
    %mul3A_0 = arith.muli %arg1, %mul3A : i32
    %add3A = arith.addi %mul3A_0, %arg0 : i32
    %mul3A_1 = arith.constant 4 : i32
    %mul3A_2 = arith.muli %add3A, %mul3A_1 : i32
    "tpu.region"() ({
      %run_scoped3A = tpu.sem_alloc : memref<!tpu.dma_semaphore, #tpu.memory_space<semaphore_mem>>
      %dma_start3A_296 = arith.constant 0 : i32
      %dma_start3A_297 = tpu.memref_slice %arg2[%mul3A_2, %dma_start3A_296] : memref<128x128xi32, #tpu.memory_space<hbm>> -> memref<4x128xi32, #tpu.memory_space<hbm>>
      %dma_start3A_298 = arith.constant 0 : i32
      %dma_start3A_299 = tpu.memref_slice %arg2[%mul3A_2, %dma_start3A_298] : memref<128x128xi32, #tpu.memory_space<hbm>> -> memref<4x128xi32, #tpu.memory_space<hbm>>
      tpu.enqueue_dma source(%dma_start3A_299 : memref<4x128xi32, #tpu.memory_space<hbm>>) target(%arg9 : memref<4x128xi32, #tpu.memory_space<vmem>>) target_semaphore(%run_scoped3A : memref<!tpu.dma_semaphore, #tpu.memory_space<semaphore_mem>>)
      %dma_wait3A_300 = arith.constant 0 : i32
      %dma_wait3A_301 = tpu.memref_slice %arg2[%mul3A_2, %dma_wait3A_300] : memref<128x128xi32, #tpu.memory_space<hbm>> -> memref<4x128xi32, #tpu.memory_space<hbm>>
      %dma_wait3A_302 = arith.constant 0 : i32
      %dma_wait3A_303 = tpu.memref_slice %arg2[%mul3A_2, %dma_wait3A_302] : memref<128x128xi32, #tpu.memory_space<hbm>> -> memref<4x128xi32, #tpu.memory_space<hbm>>
      tpu.wait_dma2 semaphore(%run_scoped3A : memref<!tpu.dma_semaphore, #tpu.memory_space<semaphore_mem>>) src(%dma_wait3A_303 : memref<4x128xi32, #tpu.memory_space<hbm>>) dst(%arg9 : memref<4x128xi32, #tpu.memory_space<vmem>>)
      tpu.yield
    }) : () -> ()
    "tpu.region"() ({
      %run_scoped3A = tpu.sem_alloc : memref<!tpu.dma_semaphore, #tpu.memory_space<semaphore_mem>>
      %dma_start3A_296 = arith.constant 0 : i32
      %dma_start3A_297 = tpu.memref_slice %arg3[%mul3A_2, %dma_start3A_296] : memref<128x128xi32, #tpu.memory_space<hbm>> -> memref<4x128xi32, #tpu.memory_space<hbm>>
      %dma_start3A_298 = arith.constant 0 : i32
      %dma_start3A_299 = tpu.memref_slice %arg3[%mul3A_2, %dma_start3A_298] : memref<128x128xi32, #tpu.memory_space<hbm>> -> memref<4x128xi32, #tpu.memory_space<hbm>>
      tpu.enqueue_dma source(%dma_start3A_299 : memref<4x128xi32, #tpu.memory_space<hbm>>) target(%arg10 : memref<4x128xi32, #tpu.memory_space<vmem>>) target_semaphore(%run_scoped3A : memref<!tpu.dma_semaphore, #tpu.memory_space<semaphore_mem>>)
      %dma_wait3A_300 = arith.constant 0 : i32
      %dma_wait3A_301 = tpu.memref_slice %arg3[%mul3A_2, %dma_wait3A_300] : memref<128x128xi32, #tpu.memory_space<hbm>> -> memref<4x128xi32, #tpu.memory_space<hbm>>
      %dma_wait3A_302 = arith.constant 0 : i32
      %dma_wait3A_303 = tpu.memref_slice %arg3[%mul3A_2, %dma_wait3A_302] : memref<128x128xi32, #tpu.memory_space<hbm>> -> memref<4x128xi32, #tpu.memory_space<hbm>>
      tpu.wait_dma2 semaphore(%run_scoped3A : memref<!tpu.dma_semaphore, #tpu.memory_space<semaphore_mem>>) src(%dma_wait3A_303 : memref<4x128xi32, #tpu.memory_space<hbm>>) dst(%arg10 : memref<4x128xi32, #tpu.memory_space<vmem>>)
      tpu.yield
    }) : () -> ()
    %dma_start3A = arith.constant 0 : i32
    %dma_start3A_3 = arith.constant 0 : i32
    %dma_start3A_4 = arith.constant 0 : i32
    %dma_start3A_5 = tpu.memref_slice %arg11[%dma_start3A_3, %dma_start3A_4] : memref<512x32xf32, #tpu.memory_space<vmem>> -> memref<128x32xf32, #tpu.memory_space<vmem>>
    %dma_start3A_6 = arith.constant 0 : i32
    %dma_start3A_7 = tpu.memref_slice %arg9[%dma_start3A, %dma_start3A_6] : memref<4x128xi32, #tpu.memory_space<vmem>> -> memref<1x128xi32, #tpu.memory_space<vmem>>
    %dma_start3A_8 = tpu.memref_squeeze %dma_start3A_7 : memref<1x128xi32, #tpu.memory_space<vmem>> -> memref<128xi32, #tpu.memory_space<vmem>>
    %dma_start3A_9 = arith.constant 0 : i32
    %dma_start3A_10 = arith.constant 0 : i32
    %dma_start3A_11 = tpu.memref_slice %arg4[%dma_start3A_9, %dma_start3A_10] : memref<1000000x32xf32, #tpu.memory_space<hbm>> -> memref<1000000x32xf32, #tpu.memory_space<hbm>>
    tpu.enqueue_indirect_dma source(%dma_start3A_11 : memref<1000000x32xf32, #tpu.memory_space<hbm>>) target(%dma_start3A_5 : memref<128x32xf32, #tpu.memory_space<vmem>>) offsets(%dma_start3A_8 : memref<128xi32, #tpu.memory_space<vmem>>) semaphore(%arg16 : memref<!tpu.dma_semaphore, #tpu.memory_space<semaphore_mem>>)
    %dma_start3A_12 = arith.constant 0 : i32
    %dma_start3A_13 = arith.constant 0 : i32
    %dma_start3A_14 = arith.constant 0 : i32
    %dma_start3A_15 = tpu.memref_slice %arg12[%dma_start3A_13, %dma_start3A_14] : memref<512x32xf32, #tpu.memory_space<vmem>> -> memref<128x32xf32, #tpu.memory_space<vmem>>
    %dma_start3A_16 = arith.constant 0 : i32
    %dma_start3A_17 = tpu.memref_slice %arg10[%dma_start3A_12, %dma_start3A_16] : memref<4x128xi32, #tpu.memory_space<vmem>> -> memref<1x128xi32, #tpu.memory_space<vmem>>
    %dma_start3A_18 = tpu.memref_squeeze %dma_start3A_17 : memref<1x128xi32, #tpu.memory_space<vmem>> -> memref<128xi32, #tpu.memory_space<vmem>>
    %dma_start3A_19 = arith.constant 0 : i32
    %dma_start3A_20 = arith.constant 0 : i32
    %dma_start3A_21 = tpu.memref_slice %arg5[%dma_start3A_19, %dma_start3A_20] : memref<100000x32xf32, #tpu.memory_space<hbm>> -> memref<100000x32xf32, #tpu.memory_space<hbm>>
    tpu.enqueue_indirect_dma source(%dma_start3A_21 : memref<100000x32xf32, #tpu.memory_space<hbm>>) target(%dma_start3A_15 : memref<128x32xf32, #tpu.memory_space<vmem>>) offsets(%dma_start3A_18 : memref<128xi32, #tpu.memory_space<vmem>>) semaphore(%arg16 : memref<!tpu.dma_semaphore, #tpu.memory_space<semaphore_mem>>)
    %dma_start3A_22 = arith.constant 0 : i32
    %dma_start3A_23 = arith.constant 0 : i32
    %dma_start3A_24 = tpu.memref_slice %arg13[%dma_start3A_23] : memref<512xf32, #tpu.memory_space<vmem>> -> memref<128xf32, #tpu.memory_space<vmem>>
    %dma_start3A_25 = arith.constant 0 : i32
    %dma_start3A_26 = tpu.memref_slice %arg9[%dma_start3A_22, %dma_start3A_25] : memref<4x128xi32, #tpu.memory_space<vmem>> -> memref<1x128xi32, #tpu.memory_space<vmem>>
    %dma_start3A_27 = tpu.memref_squeeze %dma_start3A_26 : memref<1x128xi32, #tpu.memory_space<vmem>> -> memref<128xi32, #tpu.memory_space<vmem>>
    %dma_start3A_28 = arith.constant 0 : i32
    %dma_start3A_29 = tpu.memref_slice %arg6[%dma_start3A_28] : memref<1000000xf32, #tpu.memory_space<hbm>> -> memref<1000000xf32, #tpu.memory_space<hbm>>
    tpu.enqueue_indirect_dma source(%dma_start3A_29 : memref<1000000xf32, #tpu.memory_space<hbm>>) target(%dma_start3A_24 : memref<128xf32, #tpu.memory_space<vmem>>) offsets(%dma_start3A_27 : memref<128xi32, #tpu.memory_space<vmem>>) semaphore(%arg16 : memref<!tpu.dma_semaphore, #tpu.memory_space<semaphore_mem>>)
    %dma_start3A_30 = arith.constant 0 : i32
    %dma_start3A_31 = arith.constant 0 : i32
    %dma_start3A_32 = tpu.memref_slice %arg14[%dma_start3A_31] : memref<512xf32, #tpu.memory_space<vmem>> -> memref<128xf32, #tpu.memory_space<vmem>>
    %dma_start3A_33 = arith.constant 0 : i32
    %dma_start3A_34 = tpu.memref_slice %arg10[%dma_start3A_30, %dma_start3A_33] : memref<4x128xi32, #tpu.memory_space<vmem>> -> memref<1x128xi32, #tpu.memory_space<vmem>>
    %dma_start3A_35 = tpu.memref_squeeze %dma_start3A_34 : memref<1x128xi32, #tpu.memory_space<vmem>> -> memref<128xi32, #tpu.memory_space<vmem>>
    %dma_start3A_36 = arith.constant 0 : i32
    %dma_start3A_37 = tpu.memref_slice %arg7[%dma_start3A_36] : memref<100000xf32, #tpu.memory_space<hbm>> -> memref<100000xf32, #tpu.memory_space<hbm>>
    tpu.enqueue_indirect_dma source(%dma_start3A_37 : memref<100000xf32, #tpu.memory_space<hbm>>) target(%dma_start3A_32 : memref<128xf32, #tpu.memory_space<vmem>>) offsets(%dma_start3A_35 : memref<128xi32, #tpu.memory_space<vmem>>) semaphore(%arg16 : memref<!tpu.dma_semaphore, #tpu.memory_space<semaphore_mem>>)
    %dma_start3A_38 = arith.constant 1 : i32
    %dma_start3A_39 = arith.constant 128 : i32
    %dma_start3A_40 = arith.constant 0 : i32
    %dma_start3A_41 = tpu.memref_slice %arg11[%dma_start3A_39, %dma_start3A_40] : memref<512x32xf32, #tpu.memory_space<vmem>> -> memref<128x32xf32, #tpu.memory_space<vmem>>
    %dma_start3A_42 = arith.constant 0 : i32
    %dma_start3A_43 = tpu.memref_slice %arg9[%dma_start3A_38, %dma_start3A_42] : memref<4x128xi32, #tpu.memory_space<vmem>> -> memref<1x128xi32, #tpu.memory_space<vmem>>
    %dma_start3A_44 = tpu.memref_squeeze %dma_start3A_43 : memref<1x128xi32, #tpu.memory_space<vmem>> -> memref<128xi32, #tpu.memory_space<vmem>>
    %dma_start3A_45 = arith.constant 0 : i32
    %dma_start3A_46 = arith.constant 0 : i32
    %dma_start3A_47 = tpu.memref_slice %arg4[%dma_start3A_45, %dma_start3A_46] : memref<1000000x32xf32, #tpu.memory_space<hbm>> -> memref<1000000x32xf32, #tpu.memory_space<hbm>>
    tpu.enqueue_indirect_dma source(%dma_start3A_47 : memref<1000000x32xf32, #tpu.memory_space<hbm>>) target(%dma_start3A_41 : memref<128x32xf32, #tpu.memory_space<vmem>>) offsets(%dma_start3A_44 : memref<128xi32, #tpu.memory_space<vmem>>) semaphore(%arg16 : memref<!tpu.dma_semaphore, #tpu.memory_space<semaphore_mem>>)
    %dma_start3A_48 = arith.constant 1 : i32
    %dma_start3A_49 = arith.constant 128 : i32
    %dma_start3A_50 = arith.constant 0 : i32
    %dma_start3A_51 = tpu.memref_slice %arg12[%dma_start3A_49, %dma_start3A_50] : memref<512x32xf32, #tpu.memory_space<vmem>> -> memref<128x32xf32, #tpu.memory_space<vmem>>
    %dma_start3A_52 = arith.constant 0 : i32
    %dma_start3A_53 = tpu.memref_slice %arg10[%dma_start3A_48, %dma_start3A_52] : memref<4x128xi32, #tpu.memory_space<vmem>> -> memref<1x128xi32, #tpu.memory_space<vmem>>
    %dma_start3A_54 = tpu.memref_squeeze %dma_start3A_53 : memref<1x128xi32, #tpu.memory_space<vmem>> -> memref<128xi32, #tpu.memory_space<vmem>>
    %dma_start3A_55 = arith.constant 0 : i32
    %dma_start3A_56 = arith.constant 0 : i32
    %dma_start3A_57 = tpu.memref_slice %arg5[%dma_start3A_55, %dma_start3A_56] : memref<100000x32xf32, #tpu.memory_space<hbm>> -> memref<100000x32xf32, #tpu.memory_space<hbm>>
    tpu.enqueue_indirect_dma source(%dma_start3A_57 : memref<100000x32xf32, #tpu.memory_space<hbm>>) target(%dma_start3A_51 : memref<128x32xf32, #tpu.memory_space<vmem>>) offsets(%dma_start3A_54 : memref<128xi32, #tpu.memory_space<vmem>>) semaphore(%arg16 : memref<!tpu.dma_semaphore, #tpu.memory_space<semaphore_mem>>)
    %dma_start3A_58 = arith.constant 1 : i32
    %dma_start3A_59 = arith.constant 128 : i32
    %dma_start3A_60 = tpu.memref_slice %arg13[%dma_start3A_59] : memref<512xf32, #tpu.memory_space<vmem>> -> memref<128xf32, #tpu.memory_space<vmem>>
    %dma_start3A_61 = arith.constant 0 : i32
    %dma_start3A_62 = tpu.memref_slice %arg9[%dma_start3A_58, %dma_start3A_61] : memref<4x128xi32, #tpu.memory_space<vmem>> -> memref<1x128xi32, #tpu.memory_space<vmem>>
    %dma_start3A_63 = tpu.memref_squeeze %dma_start3A_62 : memref<1x128xi32, #tpu.memory_space<vmem>> -> memref<128xi32, #tpu.memory_space<vmem>>
    %dma_start3A_64 = arith.constant 0 : i32
    %dma_start3A_65 = tpu.memref_slice %arg6[%dma_start3A_64] : memref<1000000xf32, #tpu.memory_space<hbm>> -> memref<1000000xf32, #tpu.memory_space<hbm>>
    tpu.enqueue_indirect_dma source(%dma_start3A_65 : memref<1000000xf32, #tpu.memory_space<hbm>>) target(%dma_start3A_60 : memref<128xf32, #tpu.memory_space<vmem>>) offsets(%dma_start3A_63 : memref<128xi32, #tpu.memory_space<vmem>>) semaphore(%arg16 : memref<!tpu.dma_semaphore, #tpu.memory_space<semaphore_mem>>)
    %dma_start3A_66 = arith.constant 1 : i32
    %dma_start3A_67 = arith.constant 128 : i32
    %dma_start3A_68 = tpu.memref_slice %arg14[%dma_start3A_67] : memref<512xf32, #tpu.memory_space<vmem>> -> memref<128xf32, #tpu.memory_space<vmem>>
    %dma_start3A_69 = arith.constant 0 : i32
    %dma_start3A_70 = tpu.memref_slice %arg10[%dma_start3A_66, %dma_start3A_69] : memref<4x128xi32, #tpu.memory_space<vmem>> -> memref<1x128xi32, #tpu.memory_space<vmem>>
    %dma_start3A_71 = tpu.memref_squeeze %dma_start3A_70 : memref<1x128xi32, #tpu.memory_space<vmem>> -> memref<128xi32, #tpu.memory_space<vmem>>
    %dma_start3A_72 = arith.constant 0 : i32
    %dma_start3A_73 = tpu.memref_slice %arg7[%dma_start3A_72] : memref<100000xf32, #tpu.memory_space<hbm>> -> memref<100000xf32, #tpu.memory_space<hbm>>
    tpu.enqueue_indirect_dma source(%dma_start3A_73 : memref<100000xf32, #tpu.memory_space<hbm>>) target(%dma_start3A_68 : memref<128xf32, #tpu.memory_space<vmem>>) offsets(%dma_start3A_71 : memref<128xi32, #tpu.memory_space<vmem>>) semaphore(%arg16 : memref<!tpu.dma_semaphore, #tpu.memory_space<semaphore_mem>>)
    %dma_start3A_74 = arith.constant 2 : i32
    %dma_start3A_75 = arith.constant 256 : i32
    %dma_start3A_76 = arith.constant 0 : i32
    %dma_start3A_77 = tpu.memref_slice %arg11[%dma_start3A_75, %dma_start3A_76] : memref<512x32xf32, #tpu.memory_space<vmem>> -> memref<128x32xf32, #tpu.memory_space<vmem>>
    %dma_start3A_78 = arith.constant 0 : i32
    %dma_start3A_79 = tpu.memref_slice %arg9[%dma_start3A_74, %dma_start3A_78] : memref<4x128xi32, #tpu.memory_space<vmem>> -> memref<1x128xi32, #tpu.memory_space<vmem>>
    %dma_start3A_80 = tpu.memref_squeeze %dma_start3A_79 : memref<1x128xi32, #tpu.memory_space<vmem>> -> memref<128xi32, #tpu.memory_space<vmem>>
    %dma_start3A_81 = arith.constant 0 : i32
    %dma_start3A_82 = arith.constant 0 : i32
    %dma_start3A_83 = tpu.memref_slice %arg4[%dma_start3A_81, %dma_start3A_82] : memref<1000000x32xf32, #tpu.memory_space<hbm>> -> memref<1000000x32xf32, #tpu.memory_space<hbm>>
    tpu.enqueue_indirect_dma source(%dma_start3A_83 : memref<1000000x32xf32, #tpu.memory_space<hbm>>) target(%dma_start3A_77 : memref<128x32xf32, #tpu.memory_space<vmem>>) offsets(%dma_start3A_80 : memref<128xi32, #tpu.memory_space<vmem>>) semaphore(%arg16 : memref<!tpu.dma_semaphore, #tpu.memory_space<semaphore_mem>>)
    %dma_start3A_84 = arith.constant 2 : i32
    %dma_start3A_85 = arith.constant 256 : i32
    %dma_start3A_86 = arith.constant 0 : i32
    %dma_start3A_87 = tpu.memref_slice %arg12[%dma_start3A_85, %dma_start3A_86] : memref<512x32xf32, #tpu.memory_space<vmem>> -> memref<128x32xf32, #tpu.memory_space<vmem>>
    %dma_start3A_88 = arith.constant 0 : i32
    %dma_start3A_89 = tpu.memref_slice %arg10[%dma_start3A_84, %dma_start3A_88] : memref<4x128xi32, #tpu.memory_space<vmem>> -> memref<1x128xi32, #tpu.memory_space<vmem>>
    %dma_start3A_90 = tpu.memref_squeeze %dma_start3A_89 : memref<1x128xi32, #tpu.memory_space<vmem>> -> memref<128xi32, #tpu.memory_space<vmem>>
    %dma_start3A_91 = arith.constant 0 : i32
    %dma_start3A_92 = arith.constant 0 : i32
    %dma_start3A_93 = tpu.memref_slice %arg5[%dma_start3A_91, %dma_start3A_92] : memref<100000x32xf32, #tpu.memory_space<hbm>> -> memref<100000x32xf32, #tpu.memory_space<hbm>>
    tpu.enqueue_indirect_dma source(%dma_start3A_93 : memref<100000x32xf32, #tpu.memory_space<hbm>>) target(%dma_start3A_87 : memref<128x32xf32, #tpu.memory_space<vmem>>) offsets(%dma_start3A_90 : memref<128xi32, #tpu.memory_space<vmem>>) semaphore(%arg16 : memref<!tpu.dma_semaphore, #tpu.memory_space<semaphore_mem>>)
    %dma_start3A_94 = arith.constant 2 : i32
    %dma_start3A_95 = arith.constant 256 : i32
    %dma_start3A_96 = tpu.memref_slice %arg13[%dma_start3A_95] : memref<512xf32, #tpu.memory_space<vmem>> -> memref<128xf32, #tpu.memory_space<vmem>>
    %dma_start3A_97 = arith.constant 0 : i32
    %dma_start3A_98 = tpu.memref_slice %arg9[%dma_start3A_94, %dma_start3A_97] : memref<4x128xi32, #tpu.memory_space<vmem>> -> memref<1x128xi32, #tpu.memory_space<vmem>>
    %dma_start3A_99 = tpu.memref_squeeze %dma_start3A_98 : memref<1x128xi32, #tpu.memory_space<vmem>> -> memref<128xi32, #tpu.memory_space<vmem>>
    %dma_start3A_100 = arith.constant 0 : i32
    %dma_start3A_101 = tpu.memref_slice %arg6[%dma_start3A_100] : memref<1000000xf32, #tpu.memory_space<hbm>> -> memref<1000000xf32, #tpu.memory_space<hbm>>
    tpu.enqueue_indirect_dma source(%dma_start3A_101 : memref<1000000xf32, #tpu.memory_space<hbm>>) target(%dma_start3A_96 : memref<128xf32, #tpu.memory_space<vmem>>) offsets(%dma_start3A_99 : memref<128xi32, #tpu.memory_space<vmem>>) semaphore(%arg16 : memref<!tpu.dma_semaphore, #tpu.memory_space<semaphore_mem>>)
    %dma_start3A_102 = arith.constant 2 : i32
    %dma_start3A_103 = arith.constant 256 : i32
    %dma_start3A_104 = tpu.memref_slice %arg14[%dma_start3A_103] : memref<512xf32, #tpu.memory_space<vmem>> -> memref<128xf32, #tpu.memory_space<vmem>>
    %dma_start3A_105 = arith.constant 0 : i32
    %dma_start3A_106 = tpu.memref_slice %arg10[%dma_start3A_102, %dma_start3A_105] : memref<4x128xi32, #tpu.memory_space<vmem>> -> memref<1x128xi32, #tpu.memory_space<vmem>>
    %dma_start3A_107 = tpu.memref_squeeze %dma_start3A_106 : memref<1x128xi32, #tpu.memory_space<vmem>> -> memref<128xi32, #tpu.memory_space<vmem>>
    %dma_start3A_108 = arith.constant 0 : i32
    %dma_start3A_109 = tpu.memref_slice %arg7[%dma_start3A_108] : memref<100000xf32, #tpu.memory_space<hbm>> -> memref<100000xf32, #tpu.memory_space<hbm>>
    tpu.enqueue_indirect_dma source(%dma_start3A_109 : memref<100000xf32, #tpu.memory_space<hbm>>) target(%dma_start3A_104 : memref<128xf32, #tpu.memory_space<vmem>>) offsets(%dma_start3A_107 : memref<128xi32, #tpu.memory_space<vmem>>) semaphore(%arg16 : memref<!tpu.dma_semaphore, #tpu.memory_space<semaphore_mem>>)
    %dma_start3A_110 = arith.constant 3 : i32
    %dma_start3A_111 = arith.constant 384 : i32
    %dma_start3A_112 = arith.constant 0 : i32
    %dma_start3A_113 = tpu.memref_slice %arg11[%dma_start3A_111, %dma_start3A_112] : memref<512x32xf32, #tpu.memory_space<vmem>> -> memref<128x32xf32, #tpu.memory_space<vmem>>
    %dma_start3A_114 = arith.constant 0 : i32
    %dma_start3A_115 = tpu.memref_slice %arg9[%dma_start3A_110, %dma_start3A_114] : memref<4x128xi32, #tpu.memory_space<vmem>> -> memref<1x128xi32, #tpu.memory_space<vmem>>
    %dma_start3A_116 = tpu.memref_squeeze %dma_start3A_115 : memref<1x128xi32, #tpu.memory_space<vmem>> -> memref<128xi32, #tpu.memory_space<vmem>>
    %dma_start3A_117 = arith.constant 0 : i32
    %dma_start3A_118 = arith.constant 0 : i32
    %dma_start3A_119 = tpu.memref_slice %arg4[%dma_start3A_117, %dma_start3A_118] : memref<1000000x32xf32, #tpu.memory_space<hbm>> -> memref<1000000x32xf32, #tpu.memory_space<hbm>>
    tpu.enqueue_indirect_dma source(%dma_start3A_119 : memref<1000000x32xf32, #tpu.memory_space<hbm>>) target(%dma_start3A_113 : memref<128x32xf32, #tpu.memory_space<vmem>>) offsets(%dma_start3A_116 : memref<128xi32, #tpu.memory_space<vmem>>) semaphore(%arg16 : memref<!tpu.dma_semaphore, #tpu.memory_space<semaphore_mem>>)
    %dma_start3A_120 = arith.constant 3 : i32
    %dma_start3A_121 = arith.constant 384 : i32
    %dma_start3A_122 = arith.constant 0 : i32
    %dma_start3A_123 = tpu.memref_slice %arg12[%dma_start3A_121, %dma_start3A_122] : memref<512x32xf32, #tpu.memory_space<vmem>> -> memref<128x32xf32, #tpu.memory_space<vmem>>
    %dma_start3A_124 = arith.constant 0 : i32
    %dma_start3A_125 = tpu.memref_slice %arg10[%dma_start3A_120, %dma_start3A_124] : memref<4x128xi32, #tpu.memory_space<vmem>> -> memref<1x128xi32, #tpu.memory_space<vmem>>
    %dma_start3A_126 = tpu.memref_squeeze %dma_start3A_125 : memref<1x128xi32, #tpu.memory_space<vmem>> -> memref<128xi32, #tpu.memory_space<vmem>>
    %dma_start3A_127 = arith.constant 0 : i32
    %dma_start3A_128 = arith.constant 0 : i32
    %dma_start3A_129 = tpu.memref_slice %arg5[%dma_start3A_127, %dma_start3A_128] : memref<100000x32xf32, #tpu.memory_space<hbm>> -> memref<100000x32xf32, #tpu.memory_space<hbm>>
    tpu.enqueue_indirect_dma source(%dma_start3A_129 : memref<100000x32xf32, #tpu.memory_space<hbm>>) target(%dma_start3A_123 : memref<128x32xf32, #tpu.memory_space<vmem>>) offsets(%dma_start3A_126 : memref<128xi32, #tpu.memory_space<vmem>>) semaphore(%arg16 : memref<!tpu.dma_semaphore, #tpu.memory_space<semaphore_mem>>)
    %dma_start3A_130 = arith.constant 3 : i32
    %dma_start3A_131 = arith.constant 384 : i32
    %dma_start3A_132 = tpu.memref_slice %arg13[%dma_start3A_131] : memref<512xf32, #tpu.memory_space<vmem>> -> memref<128xf32, #tpu.memory_space<vmem>>
    %dma_start3A_133 = arith.constant 0 : i32
    %dma_start3A_134 = tpu.memref_slice %arg9[%dma_start3A_130, %dma_start3A_133] : memref<4x128xi32, #tpu.memory_space<vmem>> -> memref<1x128xi32, #tpu.memory_space<vmem>>
    %dma_start3A_135 = tpu.memref_squeeze %dma_start3A_134 : memref<1x128xi32, #tpu.memory_space<vmem>> -> memref<128xi32, #tpu.memory_space<vmem>>
    %dma_start3A_136 = arith.constant 0 : i32
    %dma_start3A_137 = tpu.memref_slice %arg6[%dma_start3A_136] : memref<1000000xf32, #tpu.memory_space<hbm>> -> memref<1000000xf32, #tpu.memory_space<hbm>>
    tpu.enqueue_indirect_dma source(%dma_start3A_137 : memref<1000000xf32, #tpu.memory_space<hbm>>) target(%dma_start3A_132 : memref<128xf32, #tpu.memory_space<vmem>>) offsets(%dma_start3A_135 : memref<128xi32, #tpu.memory_space<vmem>>) semaphore(%arg16 : memref<!tpu.dma_semaphore, #tpu.memory_space<semaphore_mem>>)
    %dma_start3A_138 = arith.constant 3 : i32
    %dma_start3A_139 = arith.constant 384 : i32
    %dma_start3A_140 = tpu.memref_slice %arg14[%dma_start3A_139] : memref<512xf32, #tpu.memory_space<vmem>> -> memref<128xf32, #tpu.memory_space<vmem>>
    %dma_start3A_141 = arith.constant 0 : i32
    %dma_start3A_142 = tpu.memref_slice %arg10[%dma_start3A_138, %dma_start3A_141] : memref<4x128xi32, #tpu.memory_space<vmem>> -> memref<1x128xi32, #tpu.memory_space<vmem>>
    %dma_start3A_143 = tpu.memref_squeeze %dma_start3A_142 : memref<1x128xi32, #tpu.memory_space<vmem>> -> memref<128xi32, #tpu.memory_space<vmem>>
    %dma_start3A_144 = arith.constant 0 : i32
    %dma_start3A_145 = tpu.memref_slice %arg7[%dma_start3A_144] : memref<100000xf32, #tpu.memory_space<hbm>> -> memref<100000xf32, #tpu.memory_space<hbm>>
    tpu.enqueue_indirect_dma source(%dma_start3A_145 : memref<100000xf32, #tpu.memory_space<hbm>>) target(%dma_start3A_140 : memref<128xf32, #tpu.memory_space<vmem>>) offsets(%dma_start3A_143 : memref<128xi32, #tpu.memory_space<vmem>>) semaphore(%arg16 : memref<!tpu.dma_semaphore, #tpu.memory_space<semaphore_mem>>)
    %dma_wait3A = arith.constant 0 : i32
    %dma_wait3A_146 = arith.constant 0 : i32
    %dma_wait3A_147 = arith.constant 0 : i32
    %dma_wait3A_148 = tpu.memref_slice %arg11[%dma_wait3A_146, %dma_wait3A_147] : memref<512x32xf32, #tpu.memory_space<vmem>> -> memref<128x32xf32, #tpu.memory_space<vmem>>
    %dma_wait3A_149 = arith.constant 0 : i32
    %dma_wait3A_150 = tpu.memref_slice %arg9[%dma_wait3A, %dma_wait3A_149] : memref<4x128xi32, #tpu.memory_space<vmem>> -> memref<1x128xi32, #tpu.memory_space<vmem>>
    %dma_wait3A_151 = tpu.memref_squeeze %dma_wait3A_150 : memref<1x128xi32, #tpu.memory_space<vmem>> -> memref<128xi32, #tpu.memory_space<vmem>>
    %dma_wait3A_152 = arith.constant 0 : i32
    %dma_wait3A_153 = arith.constant 0 : i32
    %dma_wait3A_154 = tpu.memref_slice %arg4[%dma_wait3A_152, %dma_wait3A_153] : memref<1000000x32xf32, #tpu.memory_space<hbm>> -> memref<1000000x32xf32, #tpu.memory_space<hbm>>
    tpu.wait_indirect_dma semaphore(%arg16 : memref<!tpu.dma_semaphore, #tpu.memory_space<semaphore_mem>>) src(%dma_wait3A_154 : memref<1000000x32xf32, #tpu.memory_space<hbm>>) dst(%dma_wait3A_148 : memref<128x32xf32, #tpu.memory_space<vmem>>)
    %dma_wait3A_155 = arith.constant 0 : i32
    %dma_wait3A_156 = arith.constant 0 : i32
    %dma_wait3A_157 = arith.constant 0 : i32
    %dma_wait3A_158 = tpu.memref_slice %arg12[%dma_wait3A_156, %dma_wait3A_157] : memref<512x32xf32, #tpu.memory_space<vmem>> -> memref<128x32xf32, #tpu.memory_space<vmem>>
    %dma_wait3A_159 = arith.constant 0 : i32
    %dma_wait3A_160 = tpu.memref_slice %arg10[%dma_wait3A_155, %dma_wait3A_159] : memref<4x128xi32, #tpu.memory_space<vmem>> -> memref<1x128xi32, #tpu.memory_space<vmem>>
    %dma_wait3A_161 = tpu.memref_squeeze %dma_wait3A_160 : memref<1x128xi32, #tpu.memory_space<vmem>> -> memref<128xi32, #tpu.memory_space<vmem>>
    %dma_wait3A_162 = arith.constant 0 : i32
    %dma_wait3A_163 = arith.constant 0 : i32
    %dma_wait3A_164 = tpu.memref_slice %arg5[%dma_wait3A_162, %dma_wait3A_163] : memref<100000x32xf32, #tpu.memory_space<hbm>> -> memref<100000x32xf32, #tpu.memory_space<hbm>>
    tpu.wait_indirect_dma semaphore(%arg16 : memref<!tpu.dma_semaphore, #tpu.memory_space<semaphore_mem>>) src(%dma_wait3A_164 : memref<100000x32xf32, #tpu.memory_space<hbm>>) dst(%dma_wait3A_158 : memref<128x32xf32, #tpu.memory_space<vmem>>)
    %dma_wait3A_165 = arith.constant 0 : i32
    %dma_wait3A_166 = arith.constant 0 : i32
    %dma_wait3A_167 = tpu.memref_slice %arg13[%dma_wait3A_166] : memref<512xf32, #tpu.memory_space<vmem>> -> memref<128xf32, #tpu.memory_space<vmem>>
    %dma_wait3A_168 = arith.constant 0 : i32
    %dma_wait3A_169 = tpu.memref_slice %arg9[%dma_wait3A_165, %dma_wait3A_168] : memref<4x128xi32, #tpu.memory_space<vmem>> -> memref<1x128xi32, #tpu.memory_space<vmem>>
    %dma_wait3A_170 = tpu.memref_squeeze %dma_wait3A_169 : memref<1x128xi32, #tpu.memory_space<vmem>> -> memref<128xi32, #tpu.memory_space<vmem>>
    %dma_wait3A_171 = arith.constant 0 : i32
    %dma_wait3A_172 = tpu.memref_slice %arg6[%dma_wait3A_171] : memref<1000000xf32, #tpu.memory_space<hbm>> -> memref<1000000xf32, #tpu.memory_space<hbm>>
    tpu.wait_indirect_dma semaphore(%arg16 : memref<!tpu.dma_semaphore, #tpu.memory_space<semaphore_mem>>) src(%dma_wait3A_172 : memref<1000000xf32, #tpu.memory_space<hbm>>) dst(%dma_wait3A_167 : memref<128xf32, #tpu.memory_space<vmem>>)
    %dma_wait3A_173 = arith.constant 0 : i32
    %dma_wait3A_174 = arith.constant 0 : i32
    %dma_wait3A_175 = tpu.memref_slice %arg14[%dma_wait3A_174] : memref<512xf32, #tpu.memory_space<vmem>> -> memref<128xf32, #tpu.memory_space<vmem>>
    %dma_wait3A_176 = arith.constant 0 : i32
    %dma_wait3A_177 = tpu.memref_slice %arg10[%dma_wait3A_173, %dma_wait3A_176] : memref<4x128xi32, #tpu.memory_space<vmem>> -> memref<1x128xi32, #tpu.memory_space<vmem>>
    %dma_wait3A_178 = tpu.memref_squeeze %dma_wait3A_177 : memref<1x128xi32, #tpu.memory_space<vmem>> -> memref<128xi32, #tpu.memory_space<vmem>>
    %dma_wait3A_179 = arith.constant 0 : i32
    %dma_wait3A_180 = tpu.memref_slice %arg7[%dma_wait3A_179] : memref<100000xf32, #tpu.memory_space<hbm>> -> memref<100000xf32, #tpu.memory_space<hbm>>
    tpu.wait_indirect_dma semaphore(%arg16 : memref<!tpu.dma_semaphore, #tpu.memory_space<semaphore_mem>>) src(%dma_wait3A_180 : memref<100000xf32, #tpu.memory_space<hbm>>) dst(%dma_wait3A_175 : memref<128xf32, #tpu.memory_space<vmem>>)
    %dma_wait3A_181 = arith.constant 1 : i32
    %dma_wait3A_182 = arith.constant 128 : i32
    %dma_wait3A_183 = arith.constant 0 : i32
    %dma_wait3A_184 = tpu.memref_slice %arg11[%dma_wait3A_182, %dma_wait3A_183] : memref<512x32xf32, #tpu.memory_space<vmem>> -> memref<128x32xf32, #tpu.memory_space<vmem>>
    %dma_wait3A_185 = arith.constant 0 : i32
    %dma_wait3A_186 = tpu.memref_slice %arg9[%dma_wait3A_181, %dma_wait3A_185] : memref<4x128xi32, #tpu.memory_space<vmem>> -> memref<1x128xi32, #tpu.memory_space<vmem>>
    %dma_wait3A_187 = tpu.memref_squeeze %dma_wait3A_186 : memref<1x128xi32, #tpu.memory_space<vmem>> -> memref<128xi32, #tpu.memory_space<vmem>>
    %dma_wait3A_188 = arith.constant 0 : i32
    %dma_wait3A_189 = arith.constant 0 : i32
    %dma_wait3A_190 = tpu.memref_slice %arg4[%dma_wait3A_188, %dma_wait3A_189] : memref<1000000x32xf32, #tpu.memory_space<hbm>> -> memref<1000000x32xf32, #tpu.memory_space<hbm>>
    tpu.wait_indirect_dma semaphore(%arg16 : memref<!tpu.dma_semaphore, #tpu.memory_space<semaphore_mem>>) src(%dma_wait3A_190 : memref<1000000x32xf32, #tpu.memory_space<hbm>>) dst(%dma_wait3A_184 : memref<128x32xf32, #tpu.memory_space<vmem>>)
    %dma_wait3A_191 = arith.constant 1 : i32
    %dma_wait3A_192 = arith.constant 128 : i32
    %dma_wait3A_193 = arith.constant 0 : i32
    %dma_wait3A_194 = tpu.memref_slice %arg12[%dma_wait3A_192, %dma_wait3A_193] : memref<512x32xf32, #tpu.memory_space<vmem>> -> memref<128x32xf32, #tpu.memory_space<vmem>>
    %dma_wait3A_195 = arith.constant 0 : i32
    %dma_wait3A_196 = tpu.memref_slice %arg10[%dma_wait3A_191, %dma_wait3A_195] : memref<4x128xi32, #tpu.memory_space<vmem>> -> memref<1x128xi32, #tpu.memory_space<vmem>>
    %dma_wait3A_197 = tpu.memref_squeeze %dma_wait3A_196 : memref<1x128xi32, #tpu.memory_space<vmem>> -> memref<128xi32, #tpu.memory_space<vmem>>
    %dma_wait3A_198 = arith.constant 0 : i32
    %dma_wait3A_199 = arith.constant 0 : i32
    %dma_wait3A_200 = tpu.memref_slice %arg5[%dma_wait3A_198, %dma_wait3A_199] : memref<100000x32xf32, #tpu.memory_space<hbm>> -> memref<100000x32xf32, #tpu.memory_space<hbm>>
    tpu.wait_indirect_dma semaphore(%arg16 : memref<!tpu.dma_semaphore, #tpu.memory_space<semaphore_mem>>) src(%dma_wait3A_200 : memref<100000x32xf32, #tpu.memory_space<hbm>>) dst(%dma_wait3A_194 : memref<128x32xf32, #tpu.memory_space<vmem>>)
    %dma_wait3A_201 = arith.constant 1 : i32
    %dma_wait3A_202 = arith.constant 128 : i32
    %dma_wait3A_203 = tpu.memref_slice %arg13[%dma_wait3A_202] : memref<512xf32, #tpu.memory_space<vmem>> -> memref<128xf32, #tpu.memory_space<vmem>>
    %dma_wait3A_204 = arith.constant 0 : i32
    %dma_wait3A_205 = tpu.memref_slice %arg9[%dma_wait3A_201, %dma_wait3A_204] : memref<4x128xi32, #tpu.memory_space<vmem>> -> memref<1x128xi32, #tpu.memory_space<vmem>>
    %dma_wait3A_206 = tpu.memref_squeeze %dma_wait3A_205 : memref<1x128xi32, #tpu.memory_space<vmem>> -> memref<128xi32, #tpu.memory_space<vmem>>
    %dma_wait3A_207 = arith.constant 0 : i32
    %dma_wait3A_208 = tpu.memref_slice %arg6[%dma_wait3A_207] : memref<1000000xf32, #tpu.memory_space<hbm>> -> memref<1000000xf32, #tpu.memory_space<hbm>>
    tpu.wait_indirect_dma semaphore(%arg16 : memref<!tpu.dma_semaphore, #tpu.memory_space<semaphore_mem>>) src(%dma_wait3A_208 : memref<1000000xf32, #tpu.memory_space<hbm>>) dst(%dma_wait3A_203 : memref<128xf32, #tpu.memory_space<vmem>>)
    %dma_wait3A_209 = arith.constant 1 : i32
    %dma_wait3A_210 = arith.constant 128 : i32
    %dma_wait3A_211 = tpu.memref_slice %arg14[%dma_wait3A_210] : memref<512xf32, #tpu.memory_space<vmem>> -> memref<128xf32, #tpu.memory_space<vmem>>
    %dma_wait3A_212 = arith.constant 0 : i32
    %dma_wait3A_213 = tpu.memref_slice %arg10[%dma_wait3A_209, %dma_wait3A_212] : memref<4x128xi32, #tpu.memory_space<vmem>> -> memref<1x128xi32, #tpu.memory_space<vmem>>
    %dma_wait3A_214 = tpu.memref_squeeze %dma_wait3A_213 : memref<1x128xi32, #tpu.memory_space<vmem>> -> memref<128xi32, #tpu.memory_space<vmem>>
    %dma_wait3A_215 = arith.constant 0 : i32
    %dma_wait3A_216 = tpu.memref_slice %arg7[%dma_wait3A_215] : memref<100000xf32, #tpu.memory_space<hbm>> -> memref<100000xf32, #tpu.memory_space<hbm>>
    tpu.wait_indirect_dma semaphore(%arg16 : memref<!tpu.dma_semaphore, #tpu.memory_space<semaphore_mem>>) src(%dma_wait3A_216 : memref<100000xf32, #tpu.memory_space<hbm>>) dst(%dma_wait3A_211 : memref<128xf32, #tpu.memory_space<vmem>>)
    %dma_wait3A_217 = arith.constant 2 : i32
    %dma_wait3A_218 = arith.constant 256 : i32
    %dma_wait3A_219 = arith.constant 0 : i32
    %dma_wait3A_220 = tpu.memref_slice %arg11[%dma_wait3A_218, %dma_wait3A_219] : memref<512x32xf32, #tpu.memory_space<vmem>> -> memref<128x32xf32, #tpu.memory_space<vmem>>
    %dma_wait3A_221 = arith.constant 0 : i32
    %dma_wait3A_222 = tpu.memref_slice %arg9[%dma_wait3A_217, %dma_wait3A_221] : memref<4x128xi32, #tpu.memory_space<vmem>> -> memref<1x128xi32, #tpu.memory_space<vmem>>
    %dma_wait3A_223 = tpu.memref_squeeze %dma_wait3A_222 : memref<1x128xi32, #tpu.memory_space<vmem>> -> memref<128xi32, #tpu.memory_space<vmem>>
    %dma_wait3A_224 = arith.constant 0 : i32
    %dma_wait3A_225 = arith.constant 0 : i32
    %dma_wait3A_226 = tpu.memref_slice %arg4[%dma_wait3A_224, %dma_wait3A_225] : memref<1000000x32xf32, #tpu.memory_space<hbm>> -> memref<1000000x32xf32, #tpu.memory_space<hbm>>
    tpu.wait_indirect_dma semaphore(%arg16 : memref<!tpu.dma_semaphore, #tpu.memory_space<semaphore_mem>>) src(%dma_wait3A_226 : memref<1000000x32xf32, #tpu.memory_space<hbm>>) dst(%dma_wait3A_220 : memref<128x32xf32, #tpu.memory_space<vmem>>)
    %dma_wait3A_227 = arith.constant 2 : i32
    %dma_wait3A_228 = arith.constant 256 : i32
    %dma_wait3A_229 = arith.constant 0 : i32
    %dma_wait3A_230 = tpu.memref_slice %arg12[%dma_wait3A_228, %dma_wait3A_229] : memref<512x32xf32, #tpu.memory_space<vmem>> -> memref<128x32xf32, #tpu.memory_space<vmem>>
    %dma_wait3A_231 = arith.constant 0 : i32
    %dma_wait3A_232 = tpu.memref_slice %arg10[%dma_wait3A_227, %dma_wait3A_231] : memref<4x128xi32, #tpu.memory_space<vmem>> -> memref<1x128xi32, #tpu.memory_space<vmem>>
    %dma_wait3A_233 = tpu.memref_squeeze %dma_wait3A_232 : memref<1x128xi32, #tpu.memory_space<vmem>> -> memref<128xi32, #tpu.memory_space<vmem>>
    %dma_wait3A_234 = arith.constant 0 : i32
    %dma_wait3A_235 = arith.constant 0 : i32
    %dma_wait3A_236 = tpu.memref_slice %arg5[%dma_wait3A_234, %dma_wait3A_235] : memref<100000x32xf32, #tpu.memory_space<hbm>> -> memref<100000x32xf32, #tpu.memory_space<hbm>>
    tpu.wait_indirect_dma semaphore(%arg16 : memref<!tpu.dma_semaphore, #tpu.memory_space<semaphore_mem>>) src(%dma_wait3A_236 : memref<100000x32xf32, #tpu.memory_space<hbm>>) dst(%dma_wait3A_230 : memref<128x32xf32, #tpu.memory_space<vmem>>)
    %dma_wait3A_237 = arith.constant 2 : i32
    %dma_wait3A_238 = arith.constant 256 : i32
    %dma_wait3A_239 = tpu.memref_slice %arg13[%dma_wait3A_238] : memref<512xf32, #tpu.memory_space<vmem>> -> memref<128xf32, #tpu.memory_space<vmem>>
    %dma_wait3A_240 = arith.constant 0 : i32
    %dma_wait3A_241 = tpu.memref_slice %arg9[%dma_wait3A_237, %dma_wait3A_240] : memref<4x128xi32, #tpu.memory_space<vmem>> -> memref<1x128xi32, #tpu.memory_space<vmem>>
    %dma_wait3A_242 = tpu.memref_squeeze %dma_wait3A_241 : memref<1x128xi32, #tpu.memory_space<vmem>> -> memref<128xi32, #tpu.memory_space<vmem>>
    %dma_wait3A_243 = arith.constant 0 : i32
    %dma_wait3A_244 = tpu.memref_slice %arg6[%dma_wait3A_243] : memref<1000000xf32, #tpu.memory_space<hbm>> -> memref<1000000xf32, #tpu.memory_space<hbm>>
    tpu.wait_indirect_dma semaphore(%arg16 : memref<!tpu.dma_semaphore, #tpu.memory_space<semaphore_mem>>) src(%dma_wait3A_244 : memref<1000000xf32, #tpu.memory_space<hbm>>) dst(%dma_wait3A_239 : memref<128xf32, #tpu.memory_space<vmem>>)
    %dma_wait3A_245 = arith.constant 2 : i32
    %dma_wait3A_246 = arith.constant 256 : i32
    %dma_wait3A_247 = tpu.memref_slice %arg14[%dma_wait3A_246] : memref<512xf32, #tpu.memory_space<vmem>> -> memref<128xf32, #tpu.memory_space<vmem>>
    %dma_wait3A_248 = arith.constant 0 : i32
    %dma_wait3A_249 = tpu.memref_slice %arg10[%dma_wait3A_245, %dma_wait3A_248] : memref<4x128xi32, #tpu.memory_space<vmem>> -> memref<1x128xi32, #tpu.memory_space<vmem>>
    %dma_wait3A_250 = tpu.memref_squeeze %dma_wait3A_249 : memref<1x128xi32, #tpu.memory_space<vmem>> -> memref<128xi32, #tpu.memory_space<vmem>>
    %dma_wait3A_251 = arith.constant 0 : i32
    %dma_wait3A_252 = tpu.memref_slice %arg7[%dma_wait3A_251] : memref<100000xf32, #tpu.memory_space<hbm>> -> memref<100000xf32, #tpu.memory_space<hbm>>
    tpu.wait_indirect_dma semaphore(%arg16 : memref<!tpu.dma_semaphore, #tpu.memory_space<semaphore_mem>>) src(%dma_wait3A_252 : memref<100000xf32, #tpu.memory_space<hbm>>) dst(%dma_wait3A_247 : memref<128xf32, #tpu.memory_space<vmem>>)
    %dma_wait3A_253 = arith.constant 3 : i32
    %dma_wait3A_254 = arith.constant 384 : i32
    %dma_wait3A_255 = arith.constant 0 : i32
    %dma_wait3A_256 = tpu.memref_slice %arg11[%dma_wait3A_254, %dma_wait3A_255] : memref<512x32xf32, #tpu.memory_space<vmem>> -> memref<128x32xf32, #tpu.memory_space<vmem>>
    %dma_wait3A_257 = arith.constant 0 : i32
    %dma_wait3A_258 = tpu.memref_slice %arg9[%dma_wait3A_253, %dma_wait3A_257] : memref<4x128xi32, #tpu.memory_space<vmem>> -> memref<1x128xi32, #tpu.memory_space<vmem>>
    %dma_wait3A_259 = tpu.memref_squeeze %dma_wait3A_258 : memref<1x128xi32, #tpu.memory_space<vmem>> -> memref<128xi32, #tpu.memory_space<vmem>>
    %dma_wait3A_260 = arith.constant 0 : i32
    %dma_wait3A_261 = arith.constant 0 : i32
    %dma_wait3A_262 = tpu.memref_slice %arg4[%dma_wait3A_260, %dma_wait3A_261] : memref<1000000x32xf32, #tpu.memory_space<hbm>> -> memref<1000000x32xf32, #tpu.memory_space<hbm>>
    tpu.wait_indirect_dma semaphore(%arg16 : memref<!tpu.dma_semaphore, #tpu.memory_space<semaphore_mem>>) src(%dma_wait3A_262 : memref<1000000x32xf32, #tpu.memory_space<hbm>>) dst(%dma_wait3A_256 : memref<128x32xf32, #tpu.memory_space<vmem>>)
    %dma_wait3A_263 = arith.constant 3 : i32
    %dma_wait3A_264 = arith.constant 384 : i32
    %dma_wait3A_265 = arith.constant 0 : i32
    %dma_wait3A_266 = tpu.memref_slice %arg12[%dma_wait3A_264, %dma_wait3A_265] : memref<512x32xf32, #tpu.memory_space<vmem>> -> memref<128x32xf32, #tpu.memory_space<vmem>>
    %dma_wait3A_267 = arith.constant 0 : i32
    %dma_wait3A_268 = tpu.memref_slice %arg10[%dma_wait3A_263, %dma_wait3A_267] : memref<4x128xi32, #tpu.memory_space<vmem>> -> memref<1x128xi32, #tpu.memory_space<vmem>>
    %dma_wait3A_269 = tpu.memref_squeeze %dma_wait3A_268 : memref<1x128xi32, #tpu.memory_space<vmem>> -> memref<128xi32, #tpu.memory_space<vmem>>
    %dma_wait3A_270 = arith.constant 0 : i32
    %dma_wait3A_271 = arith.constant 0 : i32
    %dma_wait3A_272 = tpu.memref_slice %arg5[%dma_wait3A_270, %dma_wait3A_271] : memref<100000x32xf32, #tpu.memory_space<hbm>> -> memref<100000x32xf32, #tpu.memory_space<hbm>>
    tpu.wait_indirect_dma semaphore(%arg16 : memref<!tpu.dma_semaphore, #tpu.memory_space<semaphore_mem>>) src(%dma_wait3A_272 : memref<100000x32xf32, #tpu.memory_space<hbm>>) dst(%dma_wait3A_266 : memref<128x32xf32, #tpu.memory_space<vmem>>)
    %dma_wait3A_273 = arith.constant 3 : i32
    %dma_wait3A_274 = arith.constant 384 : i32
    %dma_wait3A_275 = tpu.memref_slice %arg13[%dma_wait3A_274] : memref<512xf32, #tpu.memory_space<vmem>> -> memref<128xf32, #tpu.memory_space<vmem>>
    %dma_wait3A_276 = arith.constant 0 : i32
    %dma_wait3A_277 = tpu.memref_slice %arg9[%dma_wait3A_273, %dma_wait3A_276] : memref<4x128xi32, #tpu.memory_space<vmem>> -> memref<1x128xi32, #tpu.memory_space<vmem>>
    %dma_wait3A_278 = tpu.memref_squeeze %dma_wait3A_277 : memref<1x128xi32, #tpu.memory_space<vmem>> -> memref<128xi32, #tpu.memory_space<vmem>>
    %dma_wait3A_279 = arith.constant 0 : i32
    %dma_wait3A_280 = tpu.memref_slice %arg6[%dma_wait3A_279] : memref<1000000xf32, #tpu.memory_space<hbm>> -> memref<1000000xf32, #tpu.memory_space<hbm>>
    tpu.wait_indirect_dma semaphore(%arg16 : memref<!tpu.dma_semaphore, #tpu.memory_space<semaphore_mem>>) src(%dma_wait3A_280 : memref<1000000xf32, #tpu.memory_space<hbm>>) dst(%dma_wait3A_275 : memref<128xf32, #tpu.memory_space<vmem>>)
    %dma_wait3A_281 = arith.constant 3 : i32
    %dma_wait3A_282 = arith.constant 384 : i32
    %dma_wait3A_283 = tpu.memref_slice %arg14[%dma_wait3A_282] : memref<512xf32, #tpu.memory_space<vmem>> -> memref<128xf32, #tpu.memory_space<vmem>>
    %dma_wait3A_284 = arith.constant 0 : i32
    %dma_wait3A_285 = tpu.memref_slice %arg10[%dma_wait3A_281, %dma_wait3A_284] : memref<4x128xi32, #tpu.memory_space<vmem>> -> memref<1x128xi32, #tpu.memory_space<vmem>>
    %dma_wait3A_286 = tpu.memref_squeeze %dma_wait3A_285 : memref<1x128xi32, #tpu.memory_space<vmem>> -> memref<128xi32, #tpu.memory_space<vmem>>
    %dma_wait3A_287 = arith.constant 0 : i32
    %dma_wait3A_288 = tpu.memref_slice %arg7[%dma_wait3A_287] : memref<100000xf32, #tpu.memory_space<hbm>> -> memref<100000xf32, #tpu.memory_space<hbm>>
    tpu.wait_indirect_dma semaphore(%arg16 : memref<!tpu.dma_semaphore, #tpu.memory_space<semaphore_mem>>) src(%dma_wait3A_288 : memref<100000xf32, #tpu.memory_space<hbm>>) dst(%dma_wait3A_283 : memref<128xf32, #tpu.memory_space<vmem>>)
    %iota3A = tpu.iota {dimensions = array<i32: 0>} : vector<16xi32>
    %scan3A = arith.constant 0 : i32
    %scan3A_289 = arith.constant 0 : i32
    %scan3A_290 = arith.constant 32 : i32
    %scan3A_291 = arith.addi %scan3A_289, %scan3A_290 : i32
    %scan3A_292 = arith.constant 1 : i32
    scf.for %scan3A_296 = %scan3A_289 to %scan3A_291 step %scan3A_292  : i32 {
      %mul3A_297 = arith.constant 16 : i32
      %mul3A_298 = arith.muli %scan3A_296, %mul3A_297 : i32
      %add3A_299 = vector.broadcast %mul3A_298 : i32 to vector<16xi32>
      %add3A_300 = arith.addi %add3A_299, %iota3A : vector<16xi32>
      %get3A = arith.index_cast %mul3A_298 : i32 to index
      %get3A_301 = tpu.vector_load %arg13[%get3A] {strides = array<i32>} : memref<512xf32, #tpu.memory_space<vmem>>, vector<16xf32>,
      %get3A_302 = arith.index_cast %mul3A_298 : i32 to index
      %get3A_303 = tpu.vector_load %arg14[%get3A_302] {strides = array<i32>} : memref<512xf32, #tpu.memory_space<vmem>>, vector<16xf32>,
      %add3A_304 = arith.addf %get3A_301, %get3A_303 : vector<16xf32>
      %add3A_305 = arith.constant 3.500000e+00 : f32
      %add3A_306 = vector.broadcast %add3A_305 : f32 to vector<16xf32>
      %add3A_307 = arith.addf %add3A_304, %add3A_306 : vector<16xf32>
      %broadcast_in_dim3A = arith.constant 0 : i32
      %broadcast_in_dim3A_308 = vector.broadcast %broadcast_in_dim3A : i32 to vector<16xi32>
      %gather3A = tpu.vector_load_idx %arg11[%add3A_300, %broadcast_in_dim3A_308] : memref<512x32xf32, #tpu.memory_space<vmem>>[vector<16xi32>, vector<16xi32>], vector<16xf32>,
      %gather3A_309 = tpu.vector_load_idx %arg12[%add3A_300, %broadcast_in_dim3A_308] : memref<512x32xf32, #tpu.memory_space<vmem>>[vector<16xi32>, vector<16xi32>], vector<16xf32>,
      %mul3A_310 = arith.mulf %gather3A, %gather3A_309 : vector<16xf32>
      %add3A_311 = arith.addf %add3A_307, %mul3A_310 : vector<16xf32>
      %broadcast_in_dim3A_312 = arith.constant 1 : i32
      %broadcast_in_dim3A_313 = vector.broadcast %broadcast_in_dim3A_312 : i32 to vector<16xi32>
      %gather3A_314 = tpu.vector_load_idx %arg11[%add3A_300, %broadcast_in_dim3A_313] : memref<512x32xf32, #tpu.memory_space<vmem>>[vector<16xi32>, vector<16xi32>], vector<16xf32>,
      %gather3A_315 = tpu.vector_load_idx %arg12[%add3A_300, %broadcast_in_dim3A_313] : memref<512x32xf32, #tpu.memory_space<vmem>>[vector<16xi32>, vector<16xi32>], vector<16xf32>,
      %mul3A_316 = arith.mulf %gather3A_314, %gather3A_315 : vector<16xf32>
      %add3A_317 = arith.addf %add3A_311, %mul3A_316 : vector<16xf32>
      %broadcast_in_dim3A_318 = arith.constant 2 : i32
      %broadcast_in_dim3A_319 = vector.broadcast %broadcast_in_dim3A_318 : i32 to vector<16xi32>
      %gather3A_320 = tpu.vector_load_idx %arg11[%add3A_300, %broadcast_in_dim3A_319] : memref<512x32xf32, #tpu.memory_space<vmem>>[vector<16xi32>, vector<16xi32>], vector<16xf32>,
      %gather3A_321 = tpu.vector_load_idx %arg12[%add3A_300, %broadcast_in_dim3A_319] : memref<512x32xf32, #tpu.memory_space<vmem>>[vector<16xi32>, vector<16xi32>], vector<16xf32>,
      %mul3A_322 = arith.mulf %gather3A_320, %gather3A_321 : vector<16xf32>
      %add3A_323 = arith.addf %add3A_317, %mul3A_322 : vector<16xf32>
      %broadcast_in_dim3A_324 = arith.constant 3 : i32
      %broadcast_in_dim3A_325 = vector.broadcast %broadcast_in_dim3A_324 : i32 to vector<16xi32>
      %gather3A_326 = tpu.vector_load_idx %arg11[%add3A_300, %broadcast_in_dim3A_325] : memref<512x32xf32, #tpu.memory_space<vmem>>[vector<16xi32>, vector<16xi32>], vector<16xf32>,
      %gather3A_327 = tpu.vector_load_idx %arg12[%add3A_300, %broadcast_in_dim3A_325] : memref<512x32xf32, #tpu.memory_space<vmem>>[vector<16xi32>, vector<16xi32>], vector<16xf32>,
      %mul3A_328 = arith.mulf %gather3A_326, %gather3A_327 : vector<16xf32>
      %add3A_329 = arith.addf %add3A_323, %mul3A_328 : vector<16xf32>
      %broadcast_in_dim3A_330 = arith.constant 4 : i32
      %broadcast_in_dim3A_331 = vector.broadcast %broadcast_in_dim3A_330 : i32 to vector<16xi32>
      %gather3A_332 = tpu.vector_load_idx %arg11[%add3A_300, %broadcast_in_dim3A_331] : memref<512x32xf32, #tpu.memory_space<vmem>>[vector<16xi32>, vector<16xi32>], vector<16xf32>,
      %gather3A_333 = tpu.vector_load_idx %arg12[%add3A_300, %broadcast_in_dim3A_331] : memref<512x32xf32, #tpu.memory_space<vmem>>[vector<16xi32>, vector<16xi32>], vector<16xf32>,
      %mul3A_334 = arith.mulf %gather3A_332, %gather3A_333 : vector<16xf32>
      %add3A_335 = arith.addf %add3A_329, %mul3A_334 : vector<16xf32>
      %broadcast_in_dim3A_336 = arith.constant 5 : i32
      %broadcast_in_dim3A_337 = vector.broadcast %broadcast_in_dim3A_336 : i32 to vector<16xi32>
      %gather3A_338 = tpu.vector_load_idx %arg11[%add3A_300, %broadcast_in_dim3A_337] : memref<512x32xf32, #tpu.memory_space<vmem>>[vector<16xi32>, vector<16xi32>], vector<16xf32>,
      %gather3A_339 = tpu.vector_load_idx %arg12[%add3A_300, %broadcast_in_dim3A_337] : memref<512x32xf32, #tpu.memory_space<vmem>>[vector<16xi32>, vector<16xi32>], vector<16xf32>,
      %mul3A_340 = arith.mulf %gather3A_338, %gather3A_339 : vector<16xf32>
      %add3A_341 = arith.addf %add3A_335, %mul3A_340 : vector<16xf32>
      %broadcast_in_dim3A_342 = arith.constant 6 : i32
      %broadcast_in_dim3A_343 = vector.broadcast %broadcast_in_dim3A_342 : i32 to vector<16xi32>
      %gather3A_344 = tpu.vector_load_idx %arg11[%add3A_300, %broadcast_in_dim3A_343] : memref<512x32xf32, #tpu.memory_space<vmem>>[vector<16xi32>, vector<16xi32>], vector<16xf32>,
      %gather3A_345 = tpu.vector_load_idx %arg12[%add3A_300, %broadcast_in_dim3A_343] : memref<512x32xf32, #tpu.memory_space<vmem>>[vector<16xi32>, vector<16xi32>], vector<16xf32>,
      %mul3A_346 = arith.mulf %gather3A_344, %gather3A_345 : vector<16xf32>
      %add3A_347 = arith.addf %add3A_341, %mul3A_346 : vector<16xf32>
      %broadcast_in_dim3A_348 = arith.constant 7 : i32
      %broadcast_in_dim3A_349 = vector.broadcast %broadcast_in_dim3A_348 : i32 to vector<16xi32>
      %gather3A_350 = tpu.vector_load_idx %arg11[%add3A_300, %broadcast_in_dim3A_349] : memref<512x32xf32, #tpu.memory_space<vmem>>[vector<16xi32>, vector<16xi32>], vector<16xf32>,
      %gather3A_351 = tpu.vector_load_idx %arg12[%add3A_300, %broadcast_in_dim3A_349] : memref<512x32xf32, #tpu.memory_space<vmem>>[vector<16xi32>, vector<16xi32>], vector<16xf32>,
      %mul3A_352 = arith.mulf %gather3A_350, %gather3A_351 : vector<16xf32>
      %add3A_353 = arith.addf %add3A_347, %mul3A_352 : vector<16xf32>
      %broadcast_in_dim3A_354 = arith.constant 8 : i32
      %broadcast_in_dim3A_355 = vector.broadcast %broadcast_in_dim3A_354 : i32 to vector<16xi32>
      %gather3A_356 = tpu.vector_load_idx %arg11[%add3A_300, %broadcast_in_dim3A_355] : memref<512x32xf32, #tpu.memory_space<vmem>>[vector<16xi32>, vector<16xi32>], vector<16xf32>,
      %gather3A_357 = tpu.vector_load_idx %arg12[%add3A_300, %broadcast_in_dim3A_355] : memref<512x32xf32, #tpu.memory_space<vmem>>[vector<16xi32>, vector<16xi32>], vector<16xf32>,
      %mul3A_358 = arith.mulf %gather3A_356, %gather3A_357 : vector<16xf32>
      %add3A_359 = arith.addf %add3A_353, %mul3A_358 : vector<16xf32>
      %broadcast_in_dim3A_360 = arith.constant 9 : i32
      %broadcast_in_dim3A_361 = vector.broadcast %broadcast_in_dim3A_360 : i32 to vector<16xi32>
      %gather3A_362 = tpu.vector_load_idx %arg11[%add3A_300, %broadcast_in_dim3A_361] : memref<512x32xf32, #tpu.memory_space<vmem>>[vector<16xi32>, vector<16xi32>], vector<16xf32>,
      %gather3A_363 = tpu.vector_load_idx %arg12[%add3A_300, %broadcast_in_dim3A_361] : memref<512x32xf32, #tpu.memory_space<vmem>>[vector<16xi32>, vector<16xi32>], vector<16xf32>,
      %mul3A_364 = arith.mulf %gather3A_362, %gather3A_363 : vector<16xf32>
      %add3A_365 = arith.addf %add3A_359, %mul3A_364 : vector<16xf32>
      %broadcast_in_dim3A_366 = arith.constant 10 : i32
      %broadcast_in_dim3A_367 = vector.broadcast %broadcast_in_dim3A_366 : i32 to vector<16xi32>
      %gather3A_368 = tpu.vector_load_idx %arg11[%add3A_300, %broadcast_in_dim3A_367] : memref<512x32xf32, #tpu.memory_space<vmem>>[vector<16xi32>, vector<16xi32>], vector<16xf32>,
      %gather3A_369 = tpu.vector_load_idx %arg12[%add3A_300, %broadcast_in_dim3A_367] : memref<512x32xf32, #tpu.memory_space<vmem>>[vector<16xi32>, vector<16xi32>], vector<16xf32>,
      %mul3A_370 = arith.mulf %gather3A_368, %gather3A_369 : vector<16xf32>
      %add3A_371 = arith.addf %add3A_365, %mul3A_370 : vector<16xf32>
      %broadcast_in_dim3A_372 = arith.constant 11 : i32
      %broadcast_in_dim3A_373 = vector.broadcast %broadcast_in_dim3A_372 : i32 to vector<16xi32>
      %gather3A_374 = tpu.vector_load_idx %arg11[%add3A_300, %broadcast_in_dim3A_373] : memref<512x32xf32, #tpu.memory_space<vmem>>[vector<16xi32>, vector<16xi32>], vector<16xf32>,
      %gather3A_375 = tpu.vector_load_idx %arg12[%add3A_300, %broadcast_in_dim3A_373] : memref<512x32xf32, #tpu.memory_space<vmem>>[vector<16xi32>, vector<16xi32>], vector<16xf32>,
      %mul3A_376 = arith.mulf %gather3A_374, %gather3A_375 : vector<16xf32>
      %add3A_377 = arith.addf %add3A_371, %mul3A_376 : vector<16xf32>
      %broadcast_in_dim3A_378 = arith.constant 12 : i32
      %broadcast_in_dim3A_379 = vector.broadcast %broadcast_in_dim3A_378 : i32 to vector<16xi32>
      %gather3A_380 = tpu.vector_load_idx %arg11[%add3A_300, %broadcast_in_dim3A_379] : memref<512x32xf32, #tpu.memory_space<vmem>>[vector<16xi32>, vector<16xi32>], vector<16xf32>,
      %gather3A_381 = tpu.vector_load_idx %arg12[%add3A_300, %broadcast_in_dim3A_379] : memref<512x32xf32, #tpu.memory_space<vmem>>[vector<16xi32>, vector<16xi32>], vector<16xf32>,
      %mul3A_382 = arith.mulf %gather3A_380, %gather3A_381 : vector<16xf32>
      %add3A_383 = arith.addf %add3A_377, %mul3A_382 : vector<16xf32>
      %broadcast_in_dim3A_384 = arith.constant 13 : i32
      %broadcast_in_dim3A_385 = vector.broadcast %broadcast_in_dim3A_384 : i32 to vector<16xi32>
      %gather3A_386 = tpu.vector_load_idx %arg11[%add3A_300, %broadcast_in_dim3A_385] : memref<512x32xf32, #tpu.memory_space<vmem>>[vector<16xi32>, vector<16xi32>], vector<16xf32>,
      %gather3A_387 = tpu.vector_load_idx %arg12[%add3A_300, %broadcast_in_dim3A_385] : memref<512x32xf32, #tpu.memory_space<vmem>>[vector<16xi32>, vector<16xi32>], vector<16xf32>,
      %mul3A_388 = arith.mulf %gather3A_386, %gather3A_387 : vector<16xf32>
      %add3A_389 = arith.addf %add3A_383, %mul3A_388 : vector<16xf32>
      %broadcast_in_dim3A_390 = arith.constant 14 : i32
      %broadcast_in_dim3A_391 = vector.broadcast %broadcast_in_dim3A_390 : i32 to vector<16xi32>
      %gather3A_392 = tpu.vector_load_idx %arg11[%add3A_300, %broadcast_in_dim3A_391] : memref<512x32xf32, #tpu.memory_space<vmem>>[vector<16xi32>, vector<16xi32>], vector<16xf32>,
      %gather3A_393 = tpu.vector_load_idx %arg12[%add3A_300, %broadcast_in_dim3A_391] : memref<512x32xf32, #tpu.memory_space<vmem>>[vector<16xi32>, vector<16xi32>], vector<16xf32>,
      %mul3A_394 = arith.mulf %gather3A_392, %gather3A_393 : vector<16xf32>
      %add3A_395 = arith.addf %add3A_389, %mul3A_394 : vector<16xf32>
      %broadcast_in_dim3A_396 = arith.constant 15 : i32
      %broadcast_in_dim3A_397 = vector.broadcast %broadcast_in_dim3A_396 : i32 to vector<16xi32>
      %gather3A_398 = tpu.vector_load_idx %arg11[%add3A_300, %broadcast_in_dim3A_397] : memref<512x32xf32, #tpu.memory_space<vmem>>[vector<16xi32>, vector<16xi32>], vector<16xf32>,
      %gather3A_399 = tpu.vector_load_idx %arg12[%add3A_300, %broadcast_in_dim3A_397] : memref<512x32xf32, #tpu.memory_space<vmem>>[vector<16xi32>, vector<16xi32>], vector<16xf32>,
      %mul3A_400 = arith.mulf %gather3A_398, %gather3A_399 : vector<16xf32>
      %add3A_401 = arith.addf %add3A_395, %mul3A_400 : vector<16xf32>
      %broadcast_in_dim3A_402 = arith.constant 16 : i32
      %broadcast_in_dim3A_403 = vector.broadcast %broadcast_in_dim3A_402 : i32 to vector<16xi32>
      %gather3A_404 = tpu.vector_load_idx %arg11[%add3A_300, %broadcast_in_dim3A_403] : memref<512x32xf32, #tpu.memory_space<vmem>>[vector<16xi32>, vector<16xi32>], vector<16xf32>,
      %gather3A_405 = tpu.vector_load_idx %arg12[%add3A_300, %broadcast_in_dim3A_403] : memref<512x32xf32, #tpu.memory_space<vmem>>[vector<16xi32>, vector<16xi32>], vector<16xf32>,
      %mul3A_406 = arith.mulf %gather3A_404, %gather3A_405 : vector<16xf32>
      %add3A_407 = arith.addf %add3A_401, %mul3A_406 : vector<16xf32>
      %broadcast_in_dim3A_408 = arith.constant 17 : i32
      %broadcast_in_dim3A_409 = vector.broadcast %broadcast_in_dim3A_408 : i32 to vector<16xi32>
      %gather3A_410 = tpu.vector_load_idx %arg11[%add3A_300, %broadcast_in_dim3A_409] : memref<512x32xf32, #tpu.memory_space<vmem>>[vector<16xi32>, vector<16xi32>], vector<16xf32>,
      %gather3A_411 = tpu.vector_load_idx %arg12[%add3A_300, %broadcast_in_dim3A_409] : memref<512x32xf32, #tpu.memory_space<vmem>>[vector<16xi32>, vector<16xi32>], vector<16xf32>,
      %mul3A_412 = arith.mulf %gather3A_410, %gather3A_411 : vector<16xf32>
      %add3A_413 = arith.addf %add3A_407, %mul3A_412 : vector<16xf32>
      %broadcast_in_dim3A_414 = arith.constant 18 : i32
      %broadcast_in_dim3A_415 = vector.broadcast %broadcast_in_dim3A_414 : i32 to vector<16xi32>
      %gather3A_416 = tpu.vector_load_idx %arg11[%add3A_300, %broadcast_in_dim3A_415] : memref<512x32xf32, #tpu.memory_space<vmem>>[vector<16xi32>, vector<16xi32>], vector<16xf32>,
      %gather3A_417 = tpu.vector_load_idx %arg12[%add3A_300, %broadcast_in_dim3A_415] : memref<512x32xf32, #tpu.memory_space<vmem>>[vector<16xi32>, vector<16xi32>], vector<16xf32>,
      %mul3A_418 = arith.mulf %gather3A_416, %gather3A_417 : vector<16xf32>
      %add3A_419 = arith.addf %add3A_413, %mul3A_418 : vector<16xf32>
      %broadcast_in_dim3A_420 = arith.constant 19 : i32
      %broadcast_in_dim3A_421 = vector.broadcast %broadcast_in_dim3A_420 : i32 to vector<16xi32>
      %gather3A_422 = tpu.vector_load_idx %arg11[%add3A_300, %broadcast_in_dim3A_421] : memref<512x32xf32, #tpu.memory_space<vmem>>[vector<16xi32>, vector<16xi32>], vector<16xf32>,
      %gather3A_423 = tpu.vector_load_idx %arg12[%add3A_300, %broadcast_in_dim3A_421] : memref<512x32xf32, #tpu.memory_space<vmem>>[vector<16xi32>, vector<16xi32>], vector<16xf32>,
      %mul3A_424 = arith.mulf %gather3A_422, %gather3A_423 : vector<16xf32>
      %add3A_425 = arith.addf %add3A_419, %mul3A_424 : vector<16xf32>
      %broadcast_in_dim3A_426 = arith.constant 20 : i32
      %broadcast_in_dim3A_427 = vector.broadcast %broadcast_in_dim3A_426 : i32 to vector<16xi32>
      %gather3A_428 = tpu.vector_load_idx %arg11[%add3A_300, %broadcast_in_dim3A_427] : memref<512x32xf32, #tpu.memory_space<vmem>>[vector<16xi32>, vector<16xi32>], vector<16xf32>,
      %gather3A_429 = tpu.vector_load_idx %arg12[%add3A_300, %broadcast_in_dim3A_427] : memref<512x32xf32, #tpu.memory_space<vmem>>[vector<16xi32>, vector<16xi32>], vector<16xf32>,
      %mul3A_430 = arith.mulf %gather3A_428, %gather3A_429 : vector<16xf32>
      %add3A_431 = arith.addf %add3A_425, %mul3A_430 : vector<16xf32>
      %broadcast_in_dim3A_432 = arith.constant 21 : i32
      %broadcast_in_dim3A_433 = vector.broadcast %broadcast_in_dim3A_432 : i32 to vector<16xi32>
      %gather3A_434 = tpu.vector_load_idx %arg11[%add3A_300, %broadcast_in_dim3A_433] : memref<512x32xf32, #tpu.memory_space<vmem>>[vector<16xi32>, vector<16xi32>], vector<16xf32>,
      %gather3A_435 = tpu.vector_load_idx %arg12[%add3A_300, %broadcast_in_dim3A_433] : memref<512x32xf32, #tpu.memory_space<vmem>>[vector<16xi32>, vector<16xi32>], vector<16xf32>,
      %mul3A_436 = arith.mulf %gather3A_434, %gather3A_435 : vector<16xf32>
      %add3A_437 = arith.addf %add3A_431, %mul3A_436 : vector<16xf32>
      %broadcast_in_dim3A_438 = arith.constant 22 : i32
      %broadcast_in_dim3A_439 = vector.broadcast %broadcast_in_dim3A_438 : i32 to vector<16xi32>
      %gather3A_440 = tpu.vector_load_idx %arg11[%add3A_300, %broadcast_in_dim3A_439] : memref<512x32xf32, #tpu.memory_space<vmem>>[vector<16xi32>, vector<16xi32>], vector<16xf32>,
      %gather3A_441 = tpu.vector_load_idx %arg12[%add3A_300, %broadcast_in_dim3A_439] : memref<512x32xf32, #tpu.memory_space<vmem>>[vector<16xi32>, vector<16xi32>], vector<16xf32>,
      %mul3A_442 = arith.mulf %gather3A_440, %gather3A_441 : vector<16xf32>
      %add3A_443 = arith.addf %add3A_437, %mul3A_442 : vector<16xf32>
      %broadcast_in_dim3A_444 = arith.constant 23 : i32
      %broadcast_in_dim3A_445 = vector.broadcast %broadcast_in_dim3A_444 : i32 to vector<16xi32>
      %gather3A_446 = tpu.vector_load_idx %arg11[%add3A_300, %broadcast_in_dim3A_445] : memref<512x32xf32, #tpu.memory_space<vmem>>[vector<16xi32>, vector<16xi32>], vector<16xf32>,
      %gather3A_447 = tpu.vector_load_idx %arg12[%add3A_300, %broadcast_in_dim3A_445] : memref<512x32xf32, #tpu.memory_space<vmem>>[vector<16xi32>, vector<16xi32>], vector<16xf32>,
      %mul3A_448 = arith.mulf %gather3A_446, %gather3A_447 : vector<16xf32>
      %add3A_449 = arith.addf %add3A_443, %mul3A_448 : vector<16xf32>
      %broadcast_in_dim3A_450 = arith.constant 24 : i32
      %broadcast_in_dim3A_451 = vector.broadcast %broadcast_in_dim3A_450 : i32 to vector<16xi32>
      %gather3A_452 = tpu.vector_load_idx %arg11[%add3A_300, %broadcast_in_dim3A_451] : memref<512x32xf32, #tpu.memory_space<vmem>>[vector<16xi32>, vector<16xi32>], vector<16xf32>,
      %gather3A_453 = tpu.vector_load_idx %arg12[%add3A_300, %broadcast_in_dim3A_451] : memref<512x32xf32, #tpu.memory_space<vmem>>[vector<16xi32>, vector<16xi32>], vector<16xf32>,
      %mul3A_454 = arith.mulf %gather3A_452, %gather3A_453 : vector<16xf32>
      %add3A_455 = arith.addf %add3A_449, %mul3A_454 : vector<16xf32>
      %broadcast_in_dim3A_456 = arith.constant 25 : i32
      %broadcast_in_dim3A_457 = vector.broadcast %broadcast_in_dim3A_456 : i32 to vector<16xi32>
      %gather3A_458 = tpu.vector_load_idx %arg11[%add3A_300, %broadcast_in_dim3A_457] : memref<512x32xf32, #tpu.memory_space<vmem>>[vector<16xi32>, vector<16xi32>], vector<16xf32>,
      %gather3A_459 = tpu.vector_load_idx %arg12[%add3A_300, %broadcast_in_dim3A_457] : memref<512x32xf32, #tpu.memory_space<vmem>>[vector<16xi32>, vector<16xi32>], vector<16xf32>,
      %mul3A_460 = arith.mulf %gather3A_458, %gather3A_459 : vector<16xf32>
      %add3A_461 = arith.addf %add3A_455, %mul3A_460 : vector<16xf32>
      %broadcast_in_dim3A_462 = arith.constant 26 : i32
      %broadcast_in_dim3A_463 = vector.broadcast %broadcast_in_dim3A_462 : i32 to vector<16xi32>
      %gather3A_464 = tpu.vector_load_idx %arg11[%add3A_300, %broadcast_in_dim3A_463] : memref<512x32xf32, #tpu.memory_space<vmem>>[vector<16xi32>, vector<16xi32>], vector<16xf32>,
      %gather3A_465 = tpu.vector_load_idx %arg12[%add3A_300, %broadcast_in_dim3A_463] : memref<512x32xf32, #tpu.memory_space<vmem>>[vector<16xi32>, vector<16xi32>], vector<16xf32>,
      %mul3A_466 = arith.mulf %gather3A_464, %gather3A_465 : vector<16xf32>
      %add3A_467 = arith.addf %add3A_461, %mul3A_466 : vector<16xf32>
      %broadcast_in_dim3A_468 = arith.constant 27 : i32
      %broadcast_in_dim3A_469 = vector.broadcast %broadcast_in_dim3A_468 : i32 to vector<16xi32>
      %gather3A_470 = tpu.vector_load_idx %arg11[%add3A_300, %broadcast_in_dim3A_469] : memref<512x32xf32, #tpu.memory_space<vmem>>[vector<16xi32>, vector<16xi32>], vector<16xf32>,
      %gather3A_471 = tpu.vector_load_idx %arg12[%add3A_300, %broadcast_in_dim3A_469] : memref<512x32xf32, #tpu.memory_space<vmem>>[vector<16xi32>, vector<16xi32>], vector<16xf32>,
      %mul3A_472 = arith.mulf %gather3A_470, %gather3A_471 : vector<16xf32>
      %add3A_473 = arith.addf %add3A_467, %mul3A_472 : vector<16xf32>
      %broadcast_in_dim3A_474 = arith.constant 28 : i32
      %broadcast_in_dim3A_475 = vector.broadcast %broadcast_in_dim3A_474 : i32 to vector<16xi32>
      %gather3A_476 = tpu.vector_load_idx %arg11[%add3A_300, %broadcast_in_dim3A_475] : memref<512x32xf32, #tpu.memory_space<vmem>>[vector<16xi32>, vector<16xi32>], vector<16xf32>,
      %gather3A_477 = tpu.vector_load_idx %arg12[%add3A_300, %broadcast_in_dim3A_475] : memref<512x32xf32, #tpu.memory_space<vmem>>[vector<16xi32>, vector<16xi32>], vector<16xf32>,
      %mul3A_478 = arith.mulf %gather3A_476, %gather3A_477 : vector<16xf32>
      %add3A_479 = arith.addf %add3A_473, %mul3A_478 : vector<16xf32>
      %broadcast_in_dim3A_480 = arith.constant 29 : i32
      %broadcast_in_dim3A_481 = vector.broadcast %broadcast_in_dim3A_480 : i32 to vector<16xi32>
      %gather3A_482 = tpu.vector_load_idx %arg11[%add3A_300, %broadcast_in_dim3A_481] : memref<512x32xf32, #tpu.memory_space<vmem>>[vector<16xi32>, vector<16xi32>], vector<16xf32>,
      %gather3A_483 = tpu.vector_load_idx %arg12[%add3A_300, %broadcast_in_dim3A_481] : memref<512x32xf32, #tpu.memory_space<vmem>>[vector<16xi32>, vector<16xi32>], vector<16xf32>,
      %mul3A_484 = arith.mulf %gather3A_482, %gather3A_483 : vector<16xf32>
      %add3A_485 = arith.addf %add3A_479, %mul3A_484 : vector<16xf32>
      %broadcast_in_dim3A_486 = arith.constant 30 : i32
      %broadcast_in_dim3A_487 = vector.broadcast %broadcast_in_dim3A_486 : i32 to vector<16xi32>
      %gather3A_488 = tpu.vector_load_idx %arg11[%add3A_300, %broadcast_in_dim3A_487] : memref<512x32xf32, #tpu.memory_space<vmem>>[vector<16xi32>, vector<16xi32>], vector<16xf32>,
      %gather3A_489 = tpu.vector_load_idx %arg12[%add3A_300, %broadcast_in_dim3A_487] : memref<512x32xf32, #tpu.memory_space<vmem>>[vector<16xi32>, vector<16xi32>], vector<16xf32>,
      %mul3A_490 = arith.mulf %gather3A_488, %gather3A_489 : vector<16xf32>
      %add3A_491 = arith.addf %add3A_485, %mul3A_490 : vector<16xf32>
      %broadcast_in_dim3A_492 = arith.constant 31 : i32
      %broadcast_in_dim3A_493 = vector.broadcast %broadcast_in_dim3A_492 : i32 to vector<16xi32>
      %gather3A_494 = tpu.vector_load_idx %arg11[%add3A_300, %broadcast_in_dim3A_493] : memref<512x32xf32, #tpu.memory_space<vmem>>[vector<16xi32>, vector<16xi32>], vector<16xf32>,
      %gather3A_495 = tpu.vector_load_idx %arg12[%add3A_300, %broadcast_in_dim3A_493] : memref<512x32xf32, #tpu.memory_space<vmem>>[vector<16xi32>, vector<16xi32>], vector<16xf32>,
      %mul3A_496 = arith.mulf %gather3A_494, %gather3A_495 : vector<16xf32>
      %add3A_497 = arith.addf %add3A_491, %mul3A_496 : vector<16xf32>
      %swap3A = arith.index_cast %mul3A_298 : i32 to index
      %swap3A_498 = tpu.vector_load %arg15[%swap3A] {strides = array<i32>} : memref<512xf32, #tpu.memory_space<vmem>>, vector<16xf32>,
      tpu.vector_store %arg15[%swap3A], %add3A_497 {strides = array<i32>} : memref<512xf32, #tpu.memory_space<vmem>>, vector<16xf32>,
    }
    %scan3A_293 = arith.constant 32 : i32
    %mul3A_294 = arith.constant 512 : i32
    %mul3A_295 = arith.muli %add3A, %mul3A_294 : i32
    "tpu.region"() ({
      %run_scoped3A = tpu.sem_alloc : memref<!tpu.dma_semaphore, #tpu.memory_space<semaphore_mem>>
      %dma_start3A_296 = tpu.memref_slice %arg8[%mul3A_295] : memref<16384xf32, #tpu.memory_space<hbm>> -> memref<512xf32, #tpu.memory_space<hbm>>
      %dma_start3A_297 = tpu.memref_slice %arg8[%mul3A_295] : memref<16384xf32, #tpu.memory_space<hbm>> -> memref<512xf32, #tpu.memory_space<hbm>>
      tpu.enqueue_dma source(%arg15 : memref<512xf32, #tpu.memory_space<vmem>>) target(%dma_start3A_297 : memref<512xf32, #tpu.memory_space<hbm>>) target_semaphore(%run_scoped3A : memref<!tpu.dma_semaphore, #tpu.memory_space<semaphore_mem>>)
      %dma_wait3A_298 = tpu.memref_slice %arg8[%mul3A_295] : memref<16384xf32, #tpu.memory_space<hbm>> -> memref<512xf32, #tpu.memory_space<hbm>>
      %dma_wait3A_299 = tpu.memref_slice %arg8[%mul3A_295] : memref<16384xf32, #tpu.memory_space<hbm>> -> memref<512xf32, #tpu.memory_space<hbm>>
      tpu.wait_dma2 semaphore(%run_scoped3A : memref<!tpu.dma_semaphore, #tpu.memory_space<semaphore_mem>>) src(%arg15 : memref<512xf32, #tpu.memory_space<vmem>>) dst(%dma_wait3A_299 : memref<512xf32, #tpu.memory_space<hbm>>)
      tpu.yield
    }) : () -> ()
    return
  }
}

</mosaic_0001>

<sc_bundles>
// kernel: kernel.3.cloned.1.call-start
scs
__scs_entry_jumppad:
0x0: {  	(pc) =	sbr.rel $0x88, $3  }
0x1: {  	(tag) =	ssettag $0x0;
	lr =	simm.s32 $0x1  }
0x2: {  	[smem:$0x3F9B] =	sst lr;
	_ =	strace $0xD0000000  }
0x3: {  	_ = 	snop  }
0x4: {  	_ = 	snop  }
0x5: {  	_ = 	snop  }
0x6: {  	_ = 	snop  }
0x7: {  	_ = 	snop  }
__scs_overlays_trampoline_lowered:
0x8: {  	[smem:$0x3FAA] =	sst s0  }
0x9: {  	[smem:$0x3FAB] =	sst s1  }
0xa: {  	[smem:$0x3FAC] =	sst s2  }
0xb: {  	[smem:$0x3FAD] =	sst s3  }
0xc: {  	[smem:$0x3FAE] =	sst s4  }
0xd: {  	[smem:$0x3FAF] =	sst s5  }
0xe: {  	[smem:$0x3FB0] =	sst s6  }
0xf: {  	[smem:$0x3FB1] =	sst s7  }
0x10: {  	[smem:$0x3FB2] =	sst s8  }
0x11: {  	[smem:$0x3FB3] =	sst s9;
	s0 =	simm.s32 @!p0 $0x0  }
0x12: {  	s1 =	sld [smem:$0x3F99];
	s0 =	simm.s32 @p0 $0x1  }
0x13: {  	[smem:$0x3FB4] =	sst s0;
	s0 =	simm.s32 @!p1 $0x0  }
0x14: {  	s2 =	sld [smem:$0x3F98];
	s0 =	simm.s32 @p1 $0x1  }
0x15: {  	[smem:$0x3FB5] =	sst s0;
	s0 =	simm.s32 @!p2 $0x0  }
0x16: {  	s3 =	sld [smem:$0x3FDB];
	s0 =	simm.s32 @p2 $0x1  }
0x17: {  	s4 =	simm.s32 $0x1BF5;
	[smem:$0x3FB7] =	sst s0  }
0x18: {  	s0 =	sld [smem:$0x3F9A];
	_ =	swait.ge [sflag:s4], $0x0  }
0x19: {  	s7 =	sld [smem:$0x3F9B]  }
0x1a: {  	s8 =	sadd.s32 $0xFFFFE003, lr  }
0x1b: {  	s9 =	sadd.s32 $0xFFFFFEF7, lr;
	s5 =	simm.s32 $0xFFFFFFFF;
	p2 =	slt.u32 s8, $0xFFFFF086  }
0x1c: {  	p1 =	slt.u32 s9, $0xF7A;
	s5 =	simm.s32 @!p2 $0x0  }
0x1d: {  	s5 =	simm.s32 @p1 $0x1;
	p0 =	seq.s32 s7, s2  }
0x1e: {  	s7 =	smul.u32 @!p0 $0xF7A, s2;
	p2 =	seq.s32 @!p0 s5, $0x0  }
0x1f: {  	s9 =	smul.u32 $0xF7A, s1;
	s8 =	simm.s32 @!p0 $0x1BF5;
	p2 =	por !p2, p0  }
0x20: {  	[sflag:s8] =	ssyncset.s32 @!p0 $0xFFFFF086;
	s6 =	sadd.s32 @!p0 s3, s7;
	s7 =	simm.s32 @!p0 $0x108  }
0x21: {  	s3 =	sadd.s32 s3, s9;
	s6 =	sadd.s32 @!p0 $0x88, s6;
	s7 =	simm.s32 @p2 $0x1082  }
0x22: {  	[simem:s7], [sflag:s8] =	dma.local @!p0 [hbm:s6], $0xF7A  }
0x23: {  	s9 =	sor.u32 $0xD0000000, s2;
	s6 =	simm.s32 $0x108;
	_ =	swait.ge @!p0 [sflag:s8], $0x0  }
0x24: {  	s3 =	sadd.s32 $0x88, s3;
	s6 =	simm.s32 @!p1 $0x1082;
	[sflag:s4] =	ssyncset.s32 $0xFFFFF086  }
0x25: {  	[simem:s6], [sflag:s4] =	dma.local [hbm:s3], $0xF7A  }
0x26: {  	[smem:$0x3F9B] =	sst s1;
	(tag) =	ssettag s2;
	_ =	strace s9  }
0x27: {  	s1 =	sld [smem:$0x3FAB]  }
0x28: {  	s2 =	sld [smem:$0x3FAC]  }
0x29: {  	s4 =	sld [smem:$0x3FAE]  }
0x2a: {  	p0 =	seq.s32 s5, $0x0;
	s5 =	sld [smem:$0x3FAF]  }
0x2b: {  	s6 =	sld [smem:$0x3FB0]  }
0x2c: {  	s7 =	sld [smem:$0x3FB1]  }
0x2d: {  	s3 =	simm.s32 $0x108;
	s8 =	sld [smem:$0x3FB2]  }
0x2e: {  	s3 =	simm.s32 @!p0 $0x1082;
	s9 =	sld [smem:$0x3FB3]  }
0x2f: {  	lr =	sadd.s32 s0, s3;
	s0 =	sld [smem:$0x3FAA]  }
0x30: {  	s3 =	sld [smem:$0x3FAD]  }
0x31: {  	[smem:$0x3FB6] =	sst s10  }
0x32: {  	s10 =	sld [smem:$0x3FB4];
	_ =	sdelay $0x3  }
0x33: {  	p0 =	seq.s32 s10, $0x1;
	s10 =	sld [smem:$0x3FB6];
	_ =	sdelay $0x3  }
0x34: {  	[smem:$0x3FB6] =	sst s10  }
0x35: {  	s10 =	sld [smem:$0x3FB5];
	_ =	sdelay $0x3  }
0x36: {  	p1 =	seq.s32 s10, $0x1;
	s10 =	sld [smem:$0x3FB6];
	_ =	sdelay $0x3  }
0x37: {  	[smem:$0x3FB6] =	sst s10  }
0x38: {  	s10 =	sld [smem:$0x3FB7]  }
0x39: {  	_ = 	snop;
	(pc) =	sbr.ind lr, $3  }
0x3a: {  	_ = 	snop  }
0x3b: {  	_ = 	snop  }
0x3c: {  	p2 =	seq.s32 s10, $0x1;
	s10 =	sld [smem:$0x3FB6]  }
0x3d: {  	_ =	shalt  }
0x3e: {  	_ =	shalt  }
0x3f: {  	_ =	shalt  }
0x40: {  	_ =	shalt  }
0x41: {  	_ =	shalt  }
0x42: {  	_ =	shalt  }
0x43: {  	_ =	shalt  }
0x44: {  	_ =	shalt  }
0x45: {  	_ =	shalt  }
0x46: {  	_ =	shalt  }
0x47: {  	_ =	shalt  }
0x48: {  	_ =	shalt  }
0x49: {  	_ =	shalt  }
0x4a: {  	_ =	shalt  }
0x4b: {  	_ =	shalt  }
0x4c: {  	_ =	shalt  }
0x4d: {  	_ =	shalt  }
0x4e: {  	_ =	shalt  }
0x4f: {  	_ =	shalt  }
0x50: {  	_ =	shalt  }
0x51: {  	_ =	shalt  }
0x52: {  	_ =	shalt  }
0x53: {  	_ =	shalt  }
0x54: {  	_ =	shalt  }
0x55: {  	_ =	shalt  }
0x56: {  	_ =	shalt  }
0x57: {  	_ =	shalt  }
0x58: {  	_ =	shalt  }
0x59: {  	_ =	shalt  }
0x5a: {  	_ =	shalt  }
0x5b: {  	_ =	shalt  }
0x5c: {  	_ =	shalt  }
0x5d: {  	_ =	shalt  }
0x5e: {  	_ =	shalt  }
0x5f: {  	_ =	shalt  }
0x60: {  	_ =	shalt  }
0x61: {  	_ =	shalt  }
0x62: {  	_ =	shalt  }
0x63: {  	_ =	shalt  }
0x64: {  	_ =	shalt  }
0x65: {  	_ =	shalt  }
0x66: {  	_ =	shalt  }
0x67: {  	_ =	shalt  }
0x68: {  	_ =	shalt  }
0x69: {  	_ =	shalt  }
0x6a: {  	_ =	shalt  }
0x6b: {  	_ =	shalt  }
0x6c: {  	_ =	shalt  }
0x6d: {  	_ =	shalt  }
0x6e: {  	_ =	shalt  }
0x6f: {  	_ =	shalt  }
0x70: {  	_ =	shalt  }
0x71: {  	_ =	shalt  }
0x72: {  	_ =	shalt  }
0x73: {  	_ =	shalt  }
0x74: {  	_ =	shalt  }
0x75: {  	_ =	shalt  }
0x76: {  	_ =	shalt  }
0x77: {  	_ =	shalt  }
0x78: {  	_ =	shalt  }
0x79: {  	_ =	shalt  }
0x7a: {  	_ =	shalt  }
0x7b: {  	_ =	shalt  }
0x7c: {  	_ =	shalt  }
0x7d: {  	_ =	shalt  }
0x7e: {  	_ =	shalt  }
0x7f: {  	_ =	shalt  }
0x80: {  	_ =	shalt  }
0x81: {  	_ =	shalt  }
0x82: {  	_ =	shalt  }
0x83: {  	_ =	shalt  }
0x84: {  	_ =	shalt  }
0x85: {  	_ =	shalt  }
0x86: {  	_ =	shalt  }
0x87: {  	_ =	shalt  }
.Lfunc_end0:
.L_simem_size_0:
called_computation_lowered:
.L_overlay_start_0:
0x88: {  	s2 =	sld [smem:$0x3FD9]  }
0x89: {  	s3 =	sld [smem:$0x3FFE];
	_ =	sdelay $0x1  }
0x8a: {  	s1 =	srdreg.scid  }
0x8b: {  	s0 =	sand.u32 $0x1, s1  }
0x8c: {  	s17 =	sshll.u32 s0, $0xA;
	s2 =	sadd.s32 s3, s2  }
0x8d: {  	s2 =	sadd.s32 s2, s17  }
0x8e: {  	[smem:$0x3FC2] =	sst s2  }
0x8f: {  	_ = 	snop  }
0x90: {  	s2 =	sld [smem:$0x3FC9]  }
0x91: {  	s18 =	sld [smem:$0x3FC8]  }
0x92: {  	s4 =	sld [smem:$0x3FC5]  }
0x93: {  	s5 =	sld [smem:$0x3FC4]  }
0x94: {  	s6 =	sld [smem:$0x3FD0];
	(tm) =	ssettm $0x1  }
0x95: {  	s7 =	sld [smem:$0x3FFB];
	_ =	sdelay $0x3  }
0x96: {  	_ =	strace s7  }
0x97: {  	s7 =	sld [smem:$0x3FFC];
	_ =	sdelay $0x3  }
0x98: {  	_ =	strace s7  }
0x99: {  	s7 =	sld [smem:$0x3FFD];
	_ =	sdelay $0x3  }
0x9a: {  	_ =	strace s7  }
0x9b: {  	_ =	strace $0x8FFFFFFF  }
0x9c: {  	s19 =	sld [smem:$0x3FDB];
	_ =	sdelay $0x1  }
0x9d: {  	s8 =	simm.s32 $_scs_section_size  }
0x9e: {  	s9 =	simm.s32 $_size__tile_overlayer_lowered;
	s10 =	simm.s32 $_tile_overlayer_lowered  }
0x9f: {  	s22 =	simm.s32 $0x1BFF;
	s21 =	sshll.u32 s10, $0x1;
	s7 =	sadd.s32 s8, s19  }
0xa0: {  	s11 =	simm.s32 $0x0;
	s20 =	sshll.u32 s9, $0x1;
	s9 =	sadd.s32 s21, s7  }
0xa1: {  	[timem:s11], [sflag:s22] =	dma.local [hbm:s9], s20  }
0xa2: {  	_ =	swait.ge [sflag:s22], s20  }
0xa3: {  	s8 =	ssub.s32 $0x0, s20;
	[sflag:s22] =	ssyncset.done $0x0  }
0xa4: {  	[sflag:s22] =	ssyncadd.s32 s8;
	_ =	sdelay $0x1  }
0xa5: {  	s23 =	simm.s32 $0x1B8B  }
0xa6: {  	_ =	swait.ge [sflag:s23], $0x1  }
0xa7: {  	[sflag:s23] =	ssyncset.done $0x0  }
0xa8: {  	s25 =	simm.s32 $0x1B8E;
	s24 =	sld [smem:$0x3FFE];
	[sflag:s23] =	ssyncadd.s32 $0xFFFFFFFF  }
0xa9: {  	s26 =	simm.s32 $execute0_lowered;
	[smem:$0x3FD2] =	sst s25  }
0xaa: {  	s9 =	sshll.u32 s26, $0x1;
	_ =	strace $0x80000046;
	[dreg:$0x1] =	wrdreg $0xFFFFFFFF  }
0xab: {  	s28 =	simm.s32 $_size_execute0_lowered;
	s7 =	sadd.s32 s7, s9;
	[dreg:$0x0] =	wrdreg $0x0  }
0xac: {  	s9 =	sshll.u32 s28, $0x1;
	[dreg:$0x2] =	wrdreg s7  }
0xad: {  	[dreg:$0x3] =	wrdreg s9  }
0xae: {  	[dreg:$0x4] =	wrdreg $0xC0  }
0xaf: {  	_ =	task [dreg:s11], $0x5FFFF  }
0xb0: {  	[dreg:$0x1] =	wrdreg $0xFFFFFFFF  }
0xb1: {  	[dreg:$0x0] =	wrdreg $0x60  }
0xb2: {  	[dreg:$0x2] =	wrdreg s2  }
0xb3: {  	[dreg:$0x3] =	wrdreg s18  }
0xb4: {  	[dreg:$0x4] =	wrdreg s24  }
0xb5: {  	[dreg:$0x5] =	wrdreg s4  }
0xb6: {  	[dreg:$0x6] =	wrdreg s5  }
0xb7: {  	[dreg:$0x7] =	wrdreg s6  }
0xb8: {  	[dreg:$0x8] =	wrdreg $0x9  }
0xb9: {  	_ =	task.clear_ibuf [dreg:s11], $0x9FFFF;
	_ =	strace $0x90000046  }
0xba: {  	s29 =	simm.s32 $0x9;
	_ =	strace $0x80000048  }
0xbb: {  	_ =	swait.ge [sflag:s29], $0x1  }
0xbc: {  	[sflag:s29] =	ssyncadd.s32 $0xFFFFFFFF  }
0xbd: {  	_ =	strace $0x90000048  }
0xbe: {  	_ =	sfence  }
0xbf: {  	s30 =	sld [smem:$0x0];
	_ =	sdelay $0x2  }
0xc0: {  	s31 =	sshll.u32 s1, $0xD;
	s1 =	sshrl.u32 s1, $0x2  }
0xc1: {  	s3 =	sand.u32 $0x4000, s31;
	s1 =	sadd.s32 s1, s30  }
0xc2: {  	s0 =	sor.u32 s3, s0;
	s1 =	sshll.u32 s1, $0x11  }
0xc3: {  	s0 =	sor.u32 s1, s0  }
0xc4: {  	s0 =	sadd.s32 $0x8F2B, s0  }
0xc5: {  	[sflag:s0] =	ssyncadd.remote.s32 $0x1  }
0xc6: {  	_ =	sfence.sel $0xFFFF  }
0xc7: {  	[dreg:$0x0] =	wrdreg $0xFFFFFFFF;
	(pc) =	sbr.abs _section_cstart, $3  }
0xc8: {  	[dreg:$0x1] =	wrdreg $0xFFFFFFFF  }
0xc9: {  	_ =	task.clear_ibuf [dreg:s11], $0x2FFFF;
	_ =	strace $0x9FFFFFFF  }
0xca: {  	(tm) =	ssettm $0x7FFFFFFF  }
0xcb: {  	_ =	shalt  }
tec
execute0_lowered:
.L_overlay_start_1:
0x0: {  	(tag) =	ssettag $0x1  }
0x1: {  	s0 =	rddreg [dreg:$0x0]  }
0x2: {  	s4 =	rddreg [dreg:$0x1]  }
0x3: {  	s6 =	rddreg [dreg:$0x2]  }
0x4: {  	s1 =	rddreg [dreg:$0x3]  }
0x5: {  	s2 =	rddreg [dreg:$0x4]  }
0x6: {  	s9 =	rddreg [dreg:$0x5]  }
0x7: {  	s3 =	simm.s32 $0x0;
	s7 =	srdreg.scid;
	s10 =	stileid.u32  }
0x8: {  	s12 =	simm.s32 $0x200;
	s13 =	simm.s32 $0x80;
	s14 =	simm.s32 $0x400  }
0x9: {  	s15 =	simm.s32 $0x4400;
	s17 =	simm.s32 $0x280;
	s21 =	simm.s32 $0x100  }
0xa: {  	s23 =	simm.s32 $0x300;
	s26 =	simm.s32 $0x8700;
	s28 =	simm.s32 $0x180  }
0xb: {  	s29 =	simm.s32 $0x3400;
	s30 =	simm.s32 $0x380;
	s31 =	simm.s32 $0x7400  }
0xc: {  	s16 =	simm.s32 $0x1;
	s18 =	simm.s32 $0x8800;
	s19 =	simm.s32 $0x0  }
0xd: {  	[smem:$0x7FF] =	sst s3;
	s5 =	sadd.s32 $0xF42A00, s6;
	s7 =	sand.u32 $0x1, s7  }
0xe: {  	s10 =	sshll.u32 s10, $0x7;
	s8 =	ssub.s32 $0x2, s7;
	s7 =	sshll.u32 s7, $0x6  }
0xf: {  	s6 =	sadd.s32 $0x187000, s6;
	s11 =	sshrl.u32 s8, $0x1;
	s10 =	sor.u32 s7, s10  }
0x10: {  	_ =	strace $0x80000047;
	s11 =	ssub.s32 s8, s11;
	s7 =	sadd.s32 s0, s10  }
0x11: {  	v0 =	vlaneseq.u32;
	s8 =	sadd.s32 s4, s10;
	s9 =	sadd.s32 s9, s10;
	s0 =	simm.s32 $0x8580  }
0x12: {  	v0 =	vmul.u32 $0x20, v0;
	s4 =	simm.s32 $0x8780;
	s10 =	smax.u32 s11, $0x1;
	s11 =	simm.s32 $0x2  }
.LBB2_1:
0x13: {  	[tilespmem:s3], [sflag:$0x2] =	stream.linear.gather [hbm4b:s7+s3], $0x200, $0x38;
	[tilespmem:$0x8A00] =	vst v63  }
0x14: {  	_ =	swait.ge [sflag:s11], $0x200  }
0x15: {  	[sflag:s11] =	ssyncset.done $0x0  }
0x16: {  	[sflag:s11] =	ssyncadd.s32 $0xFFFFFE00  }
0x17: {  	[tilespmem:s12], [sflag:$0x2] =	stream.linear.gather [hbm4b:s8+s3], $0x200, $0x38;
	[tilespmem:$0x8A00] =	vst v63  }
0x18: {  	_ =	swait.ge [sflag:s11], $0x200  }
0x19: {  	[sflag:s11] =	ssyncset.done $0x0  }
0x1a: {  	[sflag:s11] =	ssyncadd.s32 $0xFFFFFE00  }
0x1b: {  	[tilespmem:s14], [sflag:$0x1] =	stream.indirect.gather [hbm4b:s5+s13], $0x20, s3, s13, $0xb8;
	[tilespmem:$0x8A00] =	vst v63  }
0x1c: {  	_ = 	snop  }
0x1d: {  	[tilespmem:s15], [sflag:$0x1] =	stream.indirect.gather [hbm4b:s6+s13], $0x20, s12, s13, $0xb8;
	[tilespmem:$0x8A00] =	vst v63  }
0x1e: {  	s20 =	simm.s32 $0x8400  }
0x1f: {  	[tilespmem:s20], [sflag:$0x1] =	stream.indirect.gather [hbm4b:s1+s13], $0x1, s3, s13, $0xb8;
	[tilespmem:$0x8A00] =	vst v63  }
0x20: {  	s22 =	simm.s32 $0x8600  }
0x21: {  	[tilespmem:s22], [sflag:$0x1] =	stream.indirect.gather [hbm4b:s2+s13], $0x1, s12, s13, $0xb8;
	[tilespmem:$0x8A00] =	vst v63  }
0x22: {  	s24 =	simm.s32 $0x1400  }
0x23: {  	[tilespmem:s24], [sflag:$0x1] =	stream.indirect.gather [hbm4b:s5+s13], $0x20, s13, s13, $0xb8;
	[tilespmem:$0x8A00] =	vst v63  }
0x24: {  	s25 =	simm.s32 $0x5400  }
0x25: {  	[tilespmem:s25], [sflag:$0x1] =	stream.indirect.gather [hbm4b:s6+s13], $0x20, s17, s13, $0xb8;
	[tilespmem:$0x8A00] =	vst v63  }
0x26: {  	s25 =	simm.s32 $0x8480  }
0x27: {  	[tilespmem:s25], [sflag:$0x1] =	stream.indirect.gather [hbm4b:s1+s13], $0x1, s13, s13, $0xb8;
	[tilespmem:$0x8A00] =	vst v63  }
0x28: {  	s25 =	simm.s32 $0x8680  }
0x29: {  	[tilespmem:s25], [sflag:$0x1] =	stream.indirect.gather [hbm4b:s2+s13], $0x1, s17, s13, $0xb8;
	[tilespmem:$0x8A00] =	vst v63  }
0x2a: {  	s25 =	simm.s32 $0x2400  }
0x2b: {  	[tilespmem:s25], [sflag:$0x1] =	stream.indirect.gather [hbm4b:s5+s13], $0x20, s21, s13, $0xb8;
	[tilespmem:$0x8A00] =	vst v63  }
0x2c: {  	s25 =	simm.s32 $0x6400  }
0x2d: {  	[tilespmem:s25], [sflag:$0x1] =	stream.indirect.gather [hbm4b:s6+s13], $0x20, s23, s13, $0xb8;
	[tilespmem:$0x8A00] =	vst v63  }
0x2e: {  	s25 =	simm.s32 $0x8500  }
0x2f: {  	[tilespmem:s25], [sflag:$0x1] =	stream.indirect.gather [hbm4b:s1+s13], $0x1, s21, s13, $0xb8;
	[tilespmem:$0x8A00] =	vst v63  }
0x30: {  	_ = 	snop  }
0x31: {  	[tilespmem:s26], [sflag:$0x1] =	stream.indirect.gather [hbm4b:s2+s13], $0x1, s23, s13, $0xb8;
	[tilespmem:$0x8A00] =	vst v63  }
0x32: {  	_ = 	snop  }
0x33: {  	[tilespmem:s29], [sflag:$0x1] =	stream.indirect.gather [hbm4b:s5+s13], $0x20, s28, s13, $0xb8;
	[tilespmem:$0x8A00] =	vst v63  }
0x34: {  	_ = 	snop  }
0x35: {  	[tilespmem:s31], [sflag:$0x1] =	stream.indirect.gather [hbm4b:s6+s13], $0x20, s30, s13, $0xb8;
	[tilespmem:$0x8A00] =	vst v63  }
0x36: {  	_ = 	snop  }
0x37: {  	[tilespmem:s0], [sflag:$0x1] =	stream.indirect.gather [hbm4b:s1+s13], $0x1, s28, s13, $0xb8;
	[tilespmem:$0x8A00] =	vst v63  }
0x38: {  	_ = 	snop  }
0x39: {  	[tilespmem:s4], [sflag:$0x1] =	stream.indirect.gather [hbm4b:s2+s13], $0x1, s30, s13, $0xb8;
	[tilespmem:$0x8A00] =	vst v63  }
0x3a: {  	_ =	swait.ge [sflag:s16], $0x1000  }
0x3b: {  	[sflag:s16] =	ssyncset.done $0x0  }
0x3c: {  	[sflag:s16] =	ssyncadd.s32 $0xFFFFF000  }
0x3d: {  	_ =	swait.ge [sflag:s16], $0x1000  }
0x3e: {  	[sflag:s16] =	ssyncset.done $0x0  }
0x3f: {  	[sflag:s16] =	ssyncadd.s32 $0xFFFFF000  }
0x40: {  	_ =	swait.ge [sflag:s16], $0x80  }
0x41: {  	[sflag:s16] =	ssyncset.done $0x0  }
0x42: {  	[sflag:s16] =	ssyncadd.s32 $0xFFFFFF80  }
0x43: {  	_ =	swait.ge [sflag:s16], $0x80  }
0x44: {  	[sflag:s16] =	ssyncset.done $0x0  }
0x45: {  	[sflag:s16] =	ssyncadd.s32 $0xFFFFFF80  }
0x46: {  	_ =	swait.ge [sflag:s16], $0x1000  }
0x47: {  	[sflag:s16] =	ssyncset.done $0x0  }
0x48: {  	[sflag:s16] =	ssyncadd.s32 $0xFFFFF000  }
0x49: {  	_ =	swait.ge [sflag:s16], $0x1000  }
0x4a: {  	[sflag:s16] =	ssyncset.done $0x0  }
0x4b: {  	[sflag:s16] =	ssyncadd.s32 $0xFFFFF000  }
0x4c: {  	_ =	swait.ge [sflag:s16], $0x80  }
0x4d: {  	[sflag:s16] =	ssyncset.done $0x0  }
0x4e: {  	[sflag:s16] =	ssyncadd.s32 $0xFFFFFF80  }
0x4f: {  	_ =	swait.ge [sflag:s16], $0x80  }
0x50: {  	[sflag:s16] =	ssyncset.done $0x0  }
0x51: {  	[sflag:s16] =	ssyncadd.s32 $0xFFFFFF80  }
0x52: {  	_ =	swait.ge [sflag:s16], $0x1000  }
0x53: {  	[sflag:s16] =	ssyncset.done $0x0  }
0x54: {  	[sflag:s16] =	ssyncadd.s32 $0xFFFFF000  }
0x55: {  	_ =	swait.ge [sflag:s16], $0x1000  }
0x56: {  	[sflag:s16] =	ssyncset.done $0x0  }
0x57: {  	[sflag:s16] =	ssyncadd.s32 $0xFFFFF000  }
0x58: {  	_ =	swait.ge [sflag:s16], $0x80  }
0x59: {  	[sflag:s16] =	ssyncset.done $0x0  }
0x5a: {  	[sflag:s16] =	ssyncadd.s32 $0xFFFFFF80  }
0x5b: {  	_ =	swait.ge [sflag:s16], $0x80  }
0x5c: {  	[sflag:s16] =	ssyncset.done $0x0  }
0x5d: {  	[sflag:s16] =	ssyncadd.s32 $0xFFFFFF80  }
0x5e: {  	_ =	swait.ge [sflag:s16], $0x1000  }
0x5f: {  	[sflag:s16] =	ssyncset.done $0x0  }
0x60: {  	[sflag:s16] =	ssyncadd.s32 $0xFFFFF000  }
0x61: {  	_ =	swait.ge [sflag:s16], $0x1000  }
0x62: {  	[sflag:s16] =	ssyncset.done $0x0  }
0x63: {  	[sflag:s16] =	ssyncadd.s32 $0xFFFFF000  }
0x64: {  	_ =	swait.ge [sflag:s16], $0x80  }
0x65: {  	v1 =	vmov s3;
	[sflag:s16] =	ssyncset.done $0x0  }
0x66: {  	v1 =	vshll.u32 v1, $0x5;
	[sflag:s16] =	ssyncadd.s32 $0xFFFFFF80  }
0x67: {  	v1 =	vor.u32 v0, v1;
	_ =	swait.ge [sflag:s16], $0x80  }
0x68: {  	[sflag:s16] =	ssyncset.done $0x0  }
0x69: {  	v2 =	vor.u32 $0x1, v1;
	[sflag:s16] =	ssyncadd.s32 $0xFFFFFF80  }
0x6a: {  	v3 =	vld [tilespmem:s22+$0x0]  }
0x6b: {  	v4 =	vor.u32 $0x2, v1;
	v5 =	vld [tilespmem:s20+$0x0]  }
0x6c: {  	v6 =	vld.idx.msk [tilespmem:v1+s14+$0x0], $0xffff  }
0x6d: {  	v8 =	vor.u32 $0x3, v1;
	v7 =	vld.idx.msk [tilespmem:v1+s15+$0x0], $0xffff  }
0x6e: {  	v9 =	vld.idx.msk [tilespmem:v2+s14+$0x0], $0xffff  }
0x6f: {  	v10 =	vor.u32 $0x4, v1;
	v2 =	vld.idx.msk [tilespmem:v2+s15+$0x0], $0xffff  }
0x70: {  	v11 =	vld.idx.msk [tilespmem:v4+s14+$0x0], $0xffff;
	v3 =	vadd.f32 v3, v5  }
0x71: {  	v4 =	vld.idx.msk [tilespmem:v4+s15+$0x0], $0xffff;
	v5 =	vor.u32 $0x5, v1  }
0x72: {  	v12 =	vld.idx.msk [tilespmem:v8+s14+$0x0], $0xffff;
	v6 =	vmul.f32 v7, v6;
	v3 =	vadd.f32 $3.500000000e+00, v3  }
0x73: {  	v28 =	vor.u32 $0x6, v1;
	v27 =	vld.idx.msk [tilespmem:v8+s15+$0x0], $0xffff  }
0x74: {  	v13 =	vld.idx.msk [tilespmem:v10+s14+$0x0], $0xffff;
	v2 =	vmul.f32 v2, v9;
	v3 =	vadd.f32 v6, v3  }
0x75: {  	v30 =	vor.u32 $0x7, v1;
	v29 =	vld.idx.msk [tilespmem:v10+s15+$0x0], $0xffff  }
0x76: {  	v31 =	vld.idx.msk [tilespmem:v5+s14+$0x0], $0xffff;
	v2 =	vadd.f32 v2, v3;
	v3 =	vmul.f32 v4, v11  }
0x77: {  	v4 =	vld.idx.msk [tilespmem:v5+s15+$0x0], $0xffff;
	v5 =	vor.u32 $0x8, v1  }
0x78: {  	v32 =	vld.idx.msk [tilespmem:v28+s14+$0x0], $0xffff;
	v2 =	vadd.f32 v3, v2;
	v3 =	vmul.f32 v27, v12  }
0x79: {  	v34 =	vor.u32 $0x9, v1;
	v33 =	vld.idx.msk [tilespmem:v28+s15+$0x0], $0xffff  }
0x7a: {  	v35 =	vld.idx.msk [tilespmem:v30+s14+$0x0], $0xffff;
	v2 =	vadd.f32 v3, v2;
	v3 =	vmul.f32 v29, v13  }
0x7b: {  	v37 =	vor.u32 $0xA, v1;
	v36 =	vld.idx.msk [tilespmem:v30+s15+$0x0], $0xffff  }
0x7c: {  	v38 =	vld.idx.msk [tilespmem:v5+s14+$0x0], $0xffff;
	v2 =	vadd.f32 v3, v2;
	v3 =	vmul.f32 v4, v31  }
0x7d: {  	v4 =	vld.idx.msk [tilespmem:v5+s15+$0x0], $0xffff;
	v5 =	vor.u32 $0xB, v1  }
0x7e: {  	v39 =	vld.idx.msk [tilespmem:v34+s14+$0x0], $0xffff;
	v2 =	vadd.f32 v3, v2;
	v3 =	vmul.f32 v33, v32  }
0x7f: {  	v41 =	vor.u32 $0xC, v1;
	v40 =	vld.idx.msk [tilespmem:v34+s15+$0x0], $0xffff  }
0x80: {  	v42 =	vld.idx.msk [tilespmem:v37+s14+$0x0], $0xffff;
	v2 =	vadd.f32 v3, v2;
	v3 =	vmul.f32 v36, v35  }
0x81: {  	v44 =	vor.u32 $0xD, v1;
	v43 =	vld.idx.msk [tilespmem:v37+s15+$0x0], $0xffff  }
0x82: {  	v45 =	vld.idx.msk [tilespmem:v5+s14+$0x0], $0xffff;
	v2 =	vadd.f32 v3, v2;
	v3 =	vmul.f32 v4, v38  }
0x83: {  	v4 =	vld.idx.msk [tilespmem:v5+s15+$0x0], $0xffff;
	v5 =	vor.u32 $0xE, v1  }
0x84: {  	v46 =	vld.idx.msk [tilespmem:v41+s14+$0x0], $0xffff;
	v2 =	vadd.f32 v3, v2;
	v3 =	vmul.f32 v40, v39  }
0x85: {  	v48 =	vor.u32 $0xF, v1;
	v47 =	vld.idx.msk [tilespmem:v41+s15+$0x0], $0xffff  }
0x86: {  	v49 =	vld.idx.msk [tilespmem:v44+s14+$0x0], $0xffff;
	v2 =	vadd.f32 v3, v2;
	v3 =	vmul.f32 v43, v42  }
0x87: {  	v51 =	vor.u32 $0x10, v1;
	v50 =	vld.idx.msk [tilespmem:v44+s15+$0x0], $0xffff  }
0x88: {  	v52 =	vld.idx.msk [tilespmem:v5+s14+$0x0], $0xffff;
	v2 =	vadd.f32 v3, v2;
	v3 =	vmul.f32 v4, v45  }
0x89: {  	v4 =	vld.idx.msk [tilespmem:v5+s15+$0x0], $0xffff;
	v5 =	vor.u32 $0x11, v1  }
0x8a: {  	v53 =	vld.idx.msk [tilespmem:v48+s14+$0x0], $0xffff;
	v2 =	vadd.f32 v3, v2;
	v3 =	vmul.f32 v47, v46  }
0x8b: {  	v55 =	vor.u32 $0x12, v1;
	v54 =	vld.idx.msk [tilespmem:v48+s15+$0x0], $0xffff  }
0x8c: {  	v56 =	vld.idx.msk [tilespmem:v51+s14+$0x0], $0xffff;
	v2 =	vadd.f32 v3, v2;
	v3 =	vmul.f32 v50, v49  }
0x8d: {  	v58 =	vor.u32 $0x13, v1;
	v57 =	vld.idx.msk [tilespmem:v51+s15+$0x0], $0xffff  }
0x8e: {  	v59 =	vld.idx.msk [tilespmem:v5+s14+$0x0], $0xffff;
	v2 =	vadd.f32 v3, v2;
	v3 =	vmul.f32 v4, v52  }
0x8f: {  	v4 =	vld.idx.msk [tilespmem:v5+s15+$0x0], $0xffff;
	v5 =	vor.u32 $0x14, v1  }
0x90: {  	v60 =	vld.idx.msk [tilespmem:v55+s14+$0x0], $0xffff;
	v2 =	vadd.f32 v3, v2;
	v3 =	vmul.f32 v54, v53  }
0x91: {  	v62 =	vor.u32 $0x15, v1;
	v61 =	vld.idx.msk [tilespmem:v55+s15+$0x0], $0xffff  }
0x92: {  	v63 =	vld.idx.msk [tilespmem:v58+s14+$0x0], $0xffff;
	v2 =	vadd.f32 v3, v2;
	v3 =	vmul.f32 v57, v56  }
0x93: {  	v17 =	vor.u32 $0x16, v1;
	v16 =	vld.idx.msk [tilespmem:v58+s15+$0x0], $0xffff  }
0x94: {  	v18 =	vld.idx.msk [tilespmem:v5+s14+$0x0], $0xffff;
	v2 =	vadd.f32 v3, v2;
	v3 =	vmul.f32 v4, v59  }
0x95: {  	v4 =	vld.idx.msk [tilespmem:v5+s15+$0x0], $0xffff;
	v5 =	vor.u32 $0x17, v1  }
0x96: {  	v19 =	vld.idx.msk [tilespmem:v62+s14+$0x0], $0xffff;
	v2 =	vadd.f32 v3, v2;
	v3 =	vmul.f32 v61, v60  }
0x97: {  	v21 =	vor.u32 $0x18, v1;
	v20 =	vld.idx.msk [tilespmem:v62+s15+$0x0], $0xffff  }
0x98: {  	v22 =	vld.idx.msk [tilespmem:v17+s14+$0x0], $0xffff;
	v2 =	vadd.f32 v3, v2;
	v3 =	vmul.f32 v16, v63  }
0x99: {  	v24 =	vor.u32 $0x19, v1;
	v23 =	vld.idx.msk [tilespmem:v17+s15+$0x0], $0xffff  }
0x9a: {  	v25 =	vld.idx.msk [tilespmem:v5+s14+$0x0], $0xffff;
	v2 =	vadd.f32 v3, v2;
	v3 =	vmul.f32 v4, v18  }
0x9b: {  	v4 =	vld.idx.msk [tilespmem:v5+s15+$0x0], $0xffff;
	v5 =	vor.u32 $0x1A, v1  }
0x9c: {  	v26 =	vld.idx.msk [tilespmem:v21+s14+$0x0], $0xffff;
	v2 =	vadd.f32 v3, v2;
	v3 =	vmul.f32 v20, v19  }
0x9d: {  	v28 =	vor.u32 $0x1B, v1;
	v27 =	vld.idx.msk [tilespmem:v21+s15+$0x0], $0xffff  }
0x9e: {  	v30 =	vld.idx.msk [tilespmem:v24+s15+$0x0], $0xffff;
	v2 =	vadd.f32 v3, v2;
	v3 =	vmul.f32 v23, v22  }
0x9f: {  	v29 =	vld.idx.msk [tilespmem:v24+s14+$0x0], $0xffff;
	v31 =	vor.u32 $0x1C, v1  }
0xa0: {  	v32 =	vld.idx.msk [tilespmem:v5+s14+$0x0], $0xffff;
	v2 =	vadd.f32 v3, v2;
	v3 =	vmul.f32 v4, v25  }
0xa1: {  	v4 =	vld.idx.msk [tilespmem:v5+s15+$0x0], $0xffff;
	v5 =	vor.u32 $0x1D, v1  }
0xa2: {  	v34 =	vld.idx.msk [tilespmem:v28+s15+$0x0], $0xffff;
	v2 =	vadd.f32 v3, v2;
	v3 =	vmul.f32 v27, v26  }
0xa3: {  	v33 =	vld.idx.msk [tilespmem:v28+s14+$0x0], $0xffff;
	v35 =	vor.u32 $0x1E, v1  }
0xa4: {  	v36 =	vld.idx.msk [tilespmem:v31+s14+$0x0], $0xffff;
	v2 =	vadd.f32 v3, v2;
	v3 =	vmul.f32 v30, v29  }
0xa5: {  	v37 =	vld.idx.msk [tilespmem:v31+s15+$0x0], $0xffff;
	v1 =	vor.u32 $0x1F, v1  }
0xa6: {  	v38 =	vld.idx.msk [tilespmem:v5+s14+$0x0], $0xffff;
	v2 =	vadd.f32 v3, v2;
	v3 =	vmul.f32 v4, v32  }
0xa7: {  	v4 =	vld.idx.msk [tilespmem:v5+s15+$0x0], $0xffff  }
0xa8: {  	v39 =	vld.idx.msk [tilespmem:v35+s15+$0x0], $0xffff;
	v2 =	vadd.f32 v3, v2;
	v3 =	vmul.f32 v34, v33  }
0xa9: {  	v5 =	vld.idx.msk [tilespmem:v35+s14+$0x0], $0xffff  }
0xaa: {  	v40 =	vld.idx.msk [tilespmem:v1+s14+$0x0], $0xffff;
	v2 =	vadd.f32 v3, v2;
	v3 =	vmul.f32 v37, v36  }
0xab: {  	v1 =	vld.idx.msk [tilespmem:v1+s15+$0x0], $0xffff  }
0xac: {  	v2 =	vadd.f32 v3, v2;
	v3 =	vmul.f32 v4, v38;
	_ =	sdelay $0x1  }
0xad: {  	v2 =	vadd.f32 v3, v2;
	v3 =	vmul.f32 v39, v5  }
0xae: {  	s24 =	simm.s32 $0x10  }
0xaf: {  	v4 =	vmov s24;
	v2 =	vadd.f32 v3, v2;
	v3 =	vmul.f32 v1, v40  }
0xb0: {  	v1 =	vshll.u32 v4, $0x5  }
0xb1: {  	v1 =	vor.u32 v0, v1;
	v2 =	vadd.f32 v3, v2;
	_ =	sdelay $0x1  }
0xb2: {  	s20 =	simm.s32 $0x8610;
	v3 =	vor.u32 $0x1, v1;
	[tilespmem:s18+$0x0] =	vst v2  }
0xb3: {  	s22 =	simm.s32 $0x8410;
	v2 =	vld [tilespmem:s20+$0x0]  }
0xb4: {  	v4 =	vor.u32 $0x2, v1;
	v5 =	vld [tilespmem:s22+$0x0]  }
0xb5: {  	v41 =	vld.idx.msk [tilespmem:v1+s14+$0x0], $0xffff  }
0xb6: {  	v43 =	vor.u32 $0x3, v1;
	v42 =	vld.idx.msk [tilespmem:v1+s15+$0x0], $0xffff  }
0xb7: {  	v44 =	vld.idx.msk [tilespmem:v3+s14+$0x0], $0xffff  }
0xb8: {  	v45 =	vor.u32 $0x4, v1;
	v3 =	vld.idx.msk [tilespmem:v3+s15+$0x0], $0xffff  }
0xb9: {  	v46 =	vld.idx.msk [tilespmem:v4+s14+$0x0], $0xffff;
	v2 =	vadd.f32 v2, v5  }
0xba: {  	v4 =	vld.idx.msk [tilespmem:v4+s15+$0x0], $0xffff;
	v5 =	vor.u32 $0x5, v1  }
0xbb: {  	v47 =	vld.idx.msk [tilespmem:v43+s14+$0x0], $0xffff;
	v6 =	vmul.f32 v42, v41;
	v2 =	vadd.f32 $3.500000000e+00, v2  }
0xbc: {  	v49 =	vor.u32 $0x6, v1;
	v48 =	vld.idx.msk [tilespmem:v43+s15+$0x0], $0xffff  }
0xbd: {  	v50 =	vld.idx.msk [tilespmem:v45+s14+$0x0], $0xffff;
	v3 =	vmul.f32 v3, v44;
	v2 =	vadd.f32 v6, v2  }
0xbe: {  	v52 =	vor.u32 $0x7, v1;
	v51 =	vld.idx.msk [tilespmem:v45+s15+$0x0], $0xffff  }
0xbf: {  	v53 =	vld.idx.msk [tilespmem:v5+s14+$0x0], $0xffff;
	v2 =	vadd.f32 v3, v2;
	v3 =	vmul.f32 v4, v46  }
0xc0: {  	v4 =	vld.idx.msk [tilespmem:v5+s15+$0x0], $0xffff;
	v5 =	vor.u32 $0x8, v1  }
0xc1: {  	v54 =	vld.idx.msk [tilespmem:v49+s14+$0x0], $0xffff;
	v2 =	vadd.f32 v3, v2;
	v3 =	vmul.f32 v48, v47  }
0xc2: {  	v56 =	vor.u32 $0x9, v1;
	v55 =	vld.idx.msk [tilespmem:v49+s15+$0x0], $0xffff  }
0xc3: {  	v57 =	vld.idx.msk [tilespmem:v52+s14+$0x0], $0xffff;
	v2 =	vadd.f32 v3, v2;
	v3 =	vmul.f32 v51, v50  }
0xc4: {  	v59 =	vor.u32 $0xA, v1;
	v58 =	vld.idx.msk [tilespmem:v52+s15+$0x0], $0xffff  }
0xc5: {  	v60 =	vld.idx.msk [tilespmem:v5+s14+$0x0], $0xffff;
	v2 =	vadd.f32 v3, v2;
	v3 =	vmul.f32 v4, v53  }
0xc6: {  	v4 =	vld.idx.msk [tilespmem:v5+s15+$0x0], $0xffff;
	v5 =	vor.u32 $0xB, v1  }
0xc7: {  	v61 =	vld.idx.msk [tilespmem:v56+s14+$0x0], $0xffff;
	v2 =	vadd.f32 v3, v2;
	v3 =	vmul.f32 v55, v54  }
0xc8: {  	v63 =	vor.u32 $0xC, v1;
	v62 =	vld.idx.msk [tilespmem:v56+s15+$0x0], $0xffff  }
0xc9: {  	v16 =	vld.idx.msk [tilespmem:v59+s14+$0x0], $0xffff;
	v2 =	vadd.f32 v3, v2;
	v3 =	vmul.f32 v58, v57  }
0xca: {  	v18 =	vor.u32 $0xD, v1;
	v17 =	vld.idx.msk [tilespmem:v59+s15+$0x0], $0xffff  }
0xcb: {  	v19 =	vld.idx.msk [tilespmem:v5+s14+$0x0], $0xffff;
	v2 =	vadd.f32 v3, v2;
	v3 =	vmul.f32 v4, v60  }
0xcc: {  	v4 =	vld.idx.msk [tilespmem:v5+s15+$0x0], $0xffff;
	v5 =	vor.u32 $0xE, v1  }
0xcd: {  	v20 =	vld.idx.msk [tilespmem:v63+s14+$0x0], $0xffff;
	v2 =	vadd.f32 v3, v2;
	v3 =	vmul.f32 v62, v61  }
0xce: {  	v22 =	vor.u32 $0xF, v1;
	v21 =	vld.idx.msk [tilespmem:v63+s15+$0x0], $0xffff  }
0xcf: {  	v23 =	vld.idx.msk [tilespmem:v18+s14+$0x0], $0xffff;
	v2 =	vadd.f32 v3, v2;
	v3 =	vmul.f32 v17, v16  }
0xd0: {  	v25 =	vor.u32 $0x10, v1;
	v24 =	vld.idx.msk [tilespmem:v18+s15+$0x0], $0xffff  }
0xd1: {  	v26 =	vld.idx.msk [tilespmem:v5+s14+$0x0], $0xffff;
	v2 =	vadd.f32 v3, v2;
	v3 =	vmul.f32 v4, v19  }
0xd2: {  	v4 =	vld.idx.msk [tilespmem:v5+s15+$0x0], $0xffff;
	v5 =	vor.u32 $0x11, v1  }
0xd3: {  	v27 =	vld.idx.msk [tilespmem:v22+s14+$0x0], $0xffff;
	v2 =	vadd.f32 v3, v2;
	v3 =	vmul.f32 v21, v20  }
0xd4: {  	v29 =	vor.u32 $0x12, v1;
	v28 =	vld.idx.msk [tilespmem:v22+s15+$0x0], $0xffff  }
0xd5: {  	v30 =	vld.idx.msk [tilespmem:v25+s14+$0x0], $0xffff;
	v2 =	vadd.f32 v3, v2;
	v3 =	vmul.f32 v24, v23  }
0xd6: {  	v32 =	vor.u32 $0x13, v1;
	v31 =	vld.idx.msk [tilespmem:v25+s15+$0x0], $0xffff  }
0xd7: {  	v33 =	vld.idx.msk [tilespmem:v5+s14+$0x0], $0xffff;
	v2 =	vadd.f32 v3, v2;
	v3 =	vmul.f32 v4, v26  }
0xd8: {  	v4 =	vld.idx.msk [tilespmem:v5+s15+$0x0], $0xffff;
	v5 =	vor.u32 $0x14, v1  }
0xd9: {  	v34 =	vld.idx.msk [tilespmem:v29+s14+$0x0], $0xffff;
	v2 =	vadd.f32 v3, v2;
	v3 =	vmul.f32 v28, v27  }
0xda: {  	v36 =	vor.u32 $0x15, v1;
	v35 =	vld.idx.msk [tilespmem:v29+s15+$0x0], $0xffff  }
0xdb: {  	v37 =	vld.idx.msk [tilespmem:v32+s14+$0x0], $0xffff;
	v2 =	vadd.f32 v3, v2;
	v3 =	vmul.f32 v31, v30  }
0xdc: {  	v39 =	vor.u32 $0x16, v1;
	v38 =	vld.idx.msk [tilespmem:v32+s15+$0x0], $0xffff  }
0xdd: {  	v40 =	vld.idx.msk [tilespmem:v5+s14+$0x0], $0xffff;
	v2 =	vadd.f32 v3, v2;
	v3 =	vmul.f32 v4, v33  }
0xde: {  	v4 =	vld.idx.msk [tilespmem:v5+s15+$0x0], $0xffff;
	v5 =	vor.u32 $0x17, v1  }
0xdf: {  	v41 =	vld.idx.msk [tilespmem:v36+s14+$0x0], $0xffff;
	v2 =	vadd.f32 v3, v2;
	v3 =	vmul.f32 v35, v34  }
0xe0: {  	v43 =	vor.u32 $0x18, v1;
	v42 =	vld.idx.msk [tilespmem:v36+s15+$0x0], $0xffff  }
0xe1: {  	v45 =	vld.idx.msk [tilespmem:v39+s15+$0x0], $0xffff;
	v2 =	vadd.f32 v3, v2;
	v3 =	vmul.f32 v38, v37  }
0xe2: {  	v44 =	vld.idx.msk [tilespmem:v39+s14+$0x0], $0xffff;
	v46 =	vor.u32 $0x19, v1  }
0xe3: {  	v47 =	vld.idx.msk [tilespmem:v5+s14+$0x0], $0xffff;
	v2 =	vadd.f32 v3, v2;
	v3 =	vmul.f32 v4, v40  }
0xe4: {  	v4 =	vld.idx.msk [tilespmem:v5+s15+$0x0], $0xffff;
	v5 =	vor.u32 $0x1A, v1  }
0xe5: {  	v49 =	vld.idx.msk [tilespmem:v43+s15+$0x0], $0xffff;
	v2 =	vadd.f32 v3, v2;
	v3 =	vmul.f32 v42, v41  }
0xe6: {  	v48 =	vld.idx.msk [tilespmem:v43+s14+$0x0], $0xffff;
	v50 =	vor.u32 $0x1B, v1  }
0xe7: {  	v51 =	vld.idx.msk [tilespmem:v46+s14+$0x0], $0xffff;
	v2 =	vadd.f32 v3, v2;
	v3 =	vmul.f32 v45, v44  }
0xe8: {  	v52 =	vld.idx.msk [tilespmem:v46+s15+$0x0], $0xffff;
	v53 =	vor.u32 $0x1C, v1  }
0xe9: {  	v54 =	vld.idx.msk [tilespmem:v5+s14+$0x0], $0xffff;
	v2 =	vadd.f32 v3, v2;
	v3 =	vmul.f32 v4, v47  }
0xea: {  	v4 =	vld.idx.msk [tilespmem:v5+s15+$0x0], $0xffff;
	v5 =	vor.u32 $0x1D, v1  }
0xeb: {  	v55 =	vld.idx.msk [tilespmem:v50+s14+$0x0], $0xffff;
	v2 =	vadd.f32 v3, v2;
	v3 =	vmul.f32 v49, v48  }
0xec: {  	v56 =	vld.idx.msk [tilespmem:v50+s15+$0x0], $0xffff;
	v57 =	vor.u32 $0x1E, v1  }
0xed: {  	v58 =	vld.idx.msk [tilespmem:v53+s14+$0x0], $0xffff;
	v2 =	vadd.f32 v3, v2;
	v3 =	vmul.f32 v52, v51  }
0xee: {  	v59 =	vld.idx.msk [tilespmem:v53+s15+$0x0], $0xffff;
	v1 =	vor.u32 $0x1F, v1  }
0xef: {  	v60 =	vld.idx.msk [tilespmem:v5+s14+$0x0], $0xffff;
	v2 =	vadd.f32 v3, v2;
	v3 =	vmul.f32 v4, v54  }
0xf0: {  	v4 =	vld.idx.msk [tilespmem:v5+s15+$0x0], $0xffff  }
0xf1: {  	v61 =	vld.idx.msk [tilespmem:v57+s15+$0x0], $0xffff;
	v2 =	vadd.f32 v3, v2;
	v3 =	vmul.f32 v56, v55  }
0xf2: {  	v5 =	vld.idx.msk [tilespmem:v57+s14+$0x0], $0xffff  }
0xf3: {  	v62 =	vld.idx.msk [tilespmem:v1+s14+$0x0], $0xffff;
	v2 =	vadd.f32 v3, v2;
	v3 =	vmul.f32 v59, v58  }
0xf4: {  	v63 =	vld.idx.msk [tilespmem:v1+s15+$0x0], $0xffff  }
0xf5: {  	v1 =	vadd.f32 v3, v2;
	v2 =	vmul.f32 v4, v60;
	_ =	sdelay $0x1  }
0xf6: {  	s25 =	simm.s32 $0x20;
	v4 =	vmul.f32 v61, v5;
	v2 =	vadd.f32 v2, v1  }
0xf7: {  	v3 =	vmov s25  }
0xf8: {  	v1 =	vshll.u32 v3, $0x5;
	v3 =	vmul.f32 v63, v62;
	v2 =	vadd.f32 v4, v2  }
0xf9: {  	s24 =	simm.s32 $0x8800;
	s25 =	simm.s32 $0x30;
	v1 =	vor.u32 v0, v1  }
.LBB2_2:
0xfa: {  	p0 =	sne.s32 s25, $0x1F0;
	v2 =	vadd.f32 v3, v2  }
0xfb: {  	s24 =	sadd.s32 $0x10, s24  }
0xfc: {  	v3 =	vor.u32 $0x1, v1;
	[tilespmem:s24+$0x0] =	vst v2  }
0xfd: {  	s20 =	sadd.s32 $0x10, s20;
	v2 =	vld.idx.msk [tilespmem:v1+s14+$0x0], $0xffff  }
0xfe: {  	v5 =	vor.u32 $0x2, v1;
	s22 =	sadd.s32 $0x10, s22;
	v4 =	vld [tilespmem:s20+$0x0]  }
0xff: {  	v6 =	vld [tilespmem:s22+$0x0]  }
0x100: {  	v8 =	vor.u32 $0x3, v1;
	v7 =	vld.idx.msk [tilespmem:v1+s15+$0x0], $0xffff  }
0x101: {  	v9 =	vld.idx.msk [tilespmem:v3+s14+$0x0], $0xffff  }
0x102: {  	v10 =	vor.u32 $0x4, v1;
	v3 =	vld.idx.msk [tilespmem:v3+s15+$0x0], $0xffff  }
0x103: {  	v11 =	vld.idx.msk [tilespmem:v5+s14+$0x0], $0xffff  }
0x104: {  	v4 =	vadd.f32 v4, v6;
	v5 =	vld.idx.msk [tilespmem:v5+s15+$0x0], $0xffff;
	v6 =	vor.u32 $0x5, v1  }
0x105: {  	v12 =	vld.idx.msk [tilespmem:v8+s14+$0x0], $0xffff  }
0x106: {  	v2 =	vmul.f32 v7, v2;
	v4 =	vadd.f32 $3.500000000e+00, v4;
	v7 =	vld.idx.msk [tilespmem:v8+s15+$0x0], $0xffff;
	v8 =	vor.u32 $0x6, v1  }
0x107: {  	v13 =	vld.idx.msk [tilespmem:v10+s14+$0x0], $0xffff  }
0x108: {  	v3 =	vmul.f32 v3, v9;
	v9 =	vor.u32 $0x7, v1;
	v2 =	vadd.f32 v2, v4;
	v4 =	vld.idx.msk [tilespmem:v10+s15+$0x0], $0xffff  }
0x109: {  	v10 =	vld.idx.msk [tilespmem:v6+s14+$0x0], $0xffff  }
0x10a: {  	v2 =	vadd.f32 v3, v2;
	v3 =	vmul.f32 v5, v11;
	v5 =	vld.idx.msk [tilespmem:v6+s15+$0x0], $0xffff;
	v6 =	vor.u32 $0x8, v1  }
0x10b: {  	v11 =	vld.idx.msk [tilespmem:v8+s14+$0x0], $0xffff  }
0x10c: {  	v2 =	vadd.f32 v3, v2;
	v3 =	vmul.f32 v7, v12;
	v7 =	vld.idx.msk [tilespmem:v8+s15+$0x0], $0xffff;
	v8 =	vor.u32 $0x9, v1  }
0x10d: {  	v12 =	vld.idx.msk [tilespmem:v9+s14+$0x0], $0xffff  }
0x10e: {  	v2 =	vadd.f32 v3, v2;
	v3 =	vmul.f32 v4, v13;
	v4 =	vld.idx.msk [tilespmem:v9+s15+$0x0], $0xffff;
	v9 =	vor.u32 $0xA, v1  }
0x10f: {  	v13 =	vld.idx.msk [tilespmem:v6+s14+$0x0], $0xffff  }
0x110: {  	v2 =	vadd.f32 v3, v2;
	v3 =	vmul.f32 v5, v10;
	v5 =	vld.idx.msk [tilespmem:v6+s15+$0x0], $0xffff;
	v6 =	vor.u32 $0xB, v1  }
0x111: {  	v10 =	vld.idx.msk [tilespmem:v8+s14+$0x0], $0xffff  }
0x112: {  	v2 =	vadd.f32 v3, v2;
	v3 =	vmul.f32 v7, v11;
	v7 =	vld.idx.msk [tilespmem:v8+s15+$0x0], $0xffff;
	v8 =	vor.u32 $0xC, v1  }
0x113: {  	v11 =	vld.idx.msk [tilespmem:v9+s14+$0x0], $0xffff  }
0x114: {  	v2 =	vadd.f32 v3, v2;
	v3 =	vmul.f32 v4, v12;
	v4 =	vld.idx.msk [tilespmem:v9+s15+$0x0], $0xffff;
	v9 =	vor.u32 $0xD, v1  }
0x115: {  	v12 =	vld.idx.msk [tilespmem:v6+s14+$0x0], $0xffff  }
0x116: {  	v2 =	vadd.f32 v3, v2;
	v3 =	vmul.f32 v5, v13;
	v5 =	vld.idx.msk [tilespmem:v6+s15+$0x0], $0xffff;
	v6 =	vor.u32 $0xE, v1  }
0x117: {  	v13 =	vld.idx.msk [tilespmem:v8+s14+$0x0], $0xffff  }
0x118: {  	v2 =	vadd.f32 v3, v2;
	v3 =	vmul.f32 v7, v10;
	v7 =	vld.idx.msk [tilespmem:v8+s15+$0x0], $0xffff;
	v8 =	vor.u32 $0xF, v1  }
0x119: {  	v10 =	vld.idx.msk [tilespmem:v9+s14+$0x0], $0xffff  }
0x11a: {  	v2 =	vadd.f32 v3, v2;
	v3 =	vmul.f32 v4, v11;
	v4 =	vld.idx.msk [tilespmem:v9+s15+$0x0], $0xffff;
	v9 =	vor.u32 $0x10, v1  }
0x11b: {  	v11 =	vld.idx.msk [tilespmem:v6+s14+$0x0], $0xffff  }
0x11c: {  	v2 =	vadd.f32 v3, v2;
	v3 =	vmul.f32 v5, v12;
	v5 =	vld.idx.msk [tilespmem:v6+s15+$0x0], $0xffff;
	v6 =	vor.u32 $0x11, v1  }
0x11d: {  	v12 =	vld.idx.msk [tilespmem:v8+s14+$0x0], $0xffff  }
0x11e: {  	v2 =	vadd.f32 v3, v2;
	v3 =	vmul.f32 v7, v13;
	v7 =	vld.idx.msk [tilespmem:v8+s15+$0x0], $0xffff;
	v8 =	vor.u32 $0x12, v1  }
0x11f: {  	v13 =	vld.idx.msk [tilespmem:v9+s14+$0x0], $0xffff  }
0x120: {  	v2 =	vadd.f32 v3, v2;
	v3 =	vmul.f32 v4, v10;
	v4 =	vld.idx.msk [tilespmem:v9+s15+$0x0], $0xffff;
	v9 =	vor.u32 $0x13, v1  }
0x121: {  	v10 =	vld.idx.msk [tilespmem:v6+s14+$0x0], $0xffff  }
0x122: {  	v2 =	vadd.f32 v3, v2;
	v3 =	vmul.f32 v5, v11;
	v5 =	vld.idx.msk [tilespmem:v6+s15+$0x0], $0xffff;
	v6 =	vor.u32 $0x14, v1  }
0x123: {  	v11 =	vld.idx.msk [tilespmem:v8+s14+$0x0], $0xffff  }
0x124: {  	v2 =	vadd.f32 v3, v2;
	v3 =	vmul.f32 v7, v12;
	v7 =	vld.idx.msk [tilespmem:v8+s15+$0x0], $0xffff;
	v8 =	vor.u32 $0x15, v1  }
0x125: {  	v12 =	vld.idx.msk [tilespmem:v9+s14+$0x0], $0xffff  }
0x126: {  	v2 =	vadd.f32 v3, v2;
	v3 =	vmul.f32 v4, v13;
	v4 =	vld.idx.msk [tilespmem:v9+s15+$0x0], $0xffff;
	v9 =	vor.u32 $0x16, v1  }
0x127: {  	v13 =	vld.idx.msk [tilespmem:v6+s14+$0x0], $0xffff  }
0x128: {  	v2 =	vadd.f32 v3, v2;
	v3 =	vmul.f32 v5, v10;
	v5 =	vld.idx.msk [tilespmem:v6+s15+$0x0], $0xffff;
	v6 =	vor.u32 $0x17, v1  }
0x129: {  	v10 =	vld.idx.msk [tilespmem:v8+s14+$0x0], $0xffff  }
0x12a: {  	v2 =	vadd.f32 v3, v2;
	v3 =	vmul.f32 v7, v11;
	v7 =	vld.idx.msk [tilespmem:v8+s15+$0x0], $0xffff;
	v8 =	vor.u32 $0x18, v1  }
0x12b: {  	v11 =	vld.idx.msk [tilespmem:v9+s14+$0x0], $0xffff  }
0x12c: {  	v2 =	vadd.f32 v3, v2;
	v3 =	vmul.f32 v4, v12;
	v4 =	vld.idx.msk [tilespmem:v9+s15+$0x0], $0xffff;
	v9 =	vor.u32 $0x19, v1  }
0x12d: {  	v12 =	vld.idx.msk [tilespmem:v6+s14+$0x0], $0xffff  }
0x12e: {  	v2 =	vadd.f32 v3, v2;
	v3 =	vmul.f32 v5, v13;
	v5 =	vld.idx.msk [tilespmem:v6+s15+$0x0], $0xffff;
	v6 =	vor.u32 $0x1A, v1  }
0x12f: {  	v13 =	vld.idx.msk [tilespmem:v8+s14+$0x0], $0xffff  }
0x130: {  	v2 =	vadd.f32 v3, v2;
	v3 =	vmul.f32 v7, v10;
	v7 =	vld.idx.msk [tilespmem:v8+s15+$0x0], $0xffff;
	v8 =	vor.u32 $0x1B, v1  }
0x131: {  	v10 =	vld.idx.msk [tilespmem:v9+s14+$0x0], $0xffff  }
0x132: {  	v2 =	vadd.f32 v3, v2;
	v3 =	vmul.f32 v4, v11;
	v4 =	vld.idx.msk [tilespmem:v9+s15+$0x0], $0xffff;
	v9 =	vor.u32 $0x1C, v1  }
0x133: {  	v11 =	vld.idx.msk [tilespmem:v6+s14+$0x0], $0xffff  }
0x134: {  	v2 =	vadd.f32 v3, v2;
	v3 =	vmul.f32 v5, v12;
	v5 =	vld.idx.msk [tilespmem:v6+s15+$0x0], $0xffff;
	v6 =	vor.u32 $0x1D, v1  }
0x135: {  	v12 =	vld.idx.msk [tilespmem:v8+s14+$0x0], $0xffff  }
0x136: {  	v2 =	vadd.f32 v3, v2;
	v3 =	vmul.f32 v7, v13;
	v7 =	vld.idx.msk [tilespmem:v8+s15+$0x0], $0xffff;
	v8 =	vor.u32 $0x1E, v1  }
0x137: {  	v13 =	vld.idx.msk [tilespmem:v9+s14+$0x0], $0xffff  }
0x138: {  	v1 =	vor.u32 $0x1F, v1;
	v2 =	vadd.f32 v3, v2;
	v3 =	vmul.f32 v4, v10;
	v4 =	vld.idx.msk [tilespmem:v9+s15+$0x0], $0xffff  }
0x139: {  	v9 =	vld.idx.msk [tilespmem:v6+s14+$0x0], $0xffff  }
0x13a: {  	v2 =	vadd.f32 v3, v2;
	v3 =	vmul.f32 v5, v11;
	v5 =	vld.idx.msk [tilespmem:v6+s15+$0x0], $0xffff  }
0x13b: {  	v6 =	vld.idx.msk [tilespmem:v8+s14+$0x0], $0xffff  }
0x13c: {  	v2 =	vadd.f32 v3, v2;
	v3 =	vmul.f32 v7, v12;
	v7 =	vld.idx.msk [tilespmem:v8+s15+$0x0], $0xffff  }
0x13d: {  	v8 =	vld.idx.msk [tilespmem:v1+s14+$0x0], $0xffff  }
0x13e: {  	v2 =	vadd.f32 v3, v2;
	v3 =	vmul.f32 v4, v13;
	v4 =	vld.idx.msk [tilespmem:v1+s15+$0x0], $0xffff;
	_ =	sdelay $0x1  }
0x13f: {  	v1 =	vadd.f32 v3, v2;
	v2 =	vmul.f32 v5, v9  }
.Ltmp0:
0x140: {  	(pc) =	sbr.rel @p0 .LBB2_2-.Ltmp0, $4  }
0x141: {  	v3 =	vmov s25;
	v5 =	vmul.f32 v7, v6;
	v2 =	vadd.f32 v2, v1  }
0x142: {  	v1 =	vshll.u32 v3, $0x5  }
0x143: {  	v1 =	vor.u32 v0, v1;
	v3 =	vmul.f32 v4, v8;
	v2 =	vadd.f32 v5, v2  }
0x144: {  	s25 =	sadd.s32 $0x10, s25  }
0x145: {  	v2 =	vadd.f32 v3, v2  }
0x146: {  	s24 =	sadd.s32 $0x10, s24  }
0x147: {  	v3 =	vor.u32 $0x1, v1;
	s20 =	sadd.s32 $0x10, s20;
	[tilespmem:s24+$0x0] =	vst v2  }
0x148: {  	s22 =	sadd.s32 $0x10, s22;
	v2 =	vld [tilespmem:s20+$0x0]  }
0x149: {  	v4 =	vor.u32 $0x2, v1;
	v5 =	vld [tilespmem:s22+$0x0]  }
0x14a: {  	v6 =	vld.idx.msk [tilespmem:v1+s14+$0x0], $0xffff  }
0x14b: {  	v8 =	vor.u32 $0x3, v1;
	v7 =	vld.idx.msk [tilespmem:v1+s15+$0x0], $0xffff  }
0x14c: {  	v9 =	vld.idx.msk [tilespmem:v3+s14+$0x0], $0xffff  }
0x14d: {  	v10 =	vor.u32 $0x4, v1;
	v3 =	vld.idx.msk [tilespmem:v3+s15+$0x0], $0xffff  }
0x14e: {  	v11 =	vld.idx.msk [tilespmem:v4+s14+$0x0], $0xffff;
	v2 =	vadd.f32 v2, v5  }
0x14f: {  	v31 =	vor.u32 $0x5, v1;
	v4 =	vld.idx.msk [tilespmem:v4+s15+$0x0], $0xffff  }
0x150: {  	v12 =	vld.idx.msk [tilespmem:v8+s14+$0x0], $0xffff;
	v6 =	vmul.f32 v7, v6;
	v2 =	vadd.f32 $3.500000000e+00, v2  }
0x151: {  	v33 =	vor.u32 $0x6, v1;
	v32 =	vld.idx.msk [tilespmem:v8+s15+$0x0], $0xffff  }
0x152: {  	v13 =	vld.idx.msk [tilespmem:v10+s14+$0x0], $0xffff;
	v3 =	vmul.f32 v3, v9;
	v2 =	vadd.f32 v6, v2  }
0x153: {  	v35 =	vor.u32 $0x7, v1;
	v34 =	vld.idx.msk [tilespmem:v10+s15+$0x0], $0xffff  }
0x154: {  	v36 =	vld.idx.msk [tilespmem:v31+s14+$0x0], $0xffff;
	v2 =	vadd.f32 v3, v2;
	v3 =	vmul.f32 v4, v11  }
0x155: {  	v38 =	vor.u32 $0x8, v1;
	v37 =	vld.idx.msk [tilespmem:v31+s15+$0x0], $0xffff  }
0x156: {  	v39 =	vld.idx.msk [tilespmem:v33+s14+$0x0], $0xffff;
	v2 =	vadd.f32 v3, v2;
	v3 =	vmul.f32 v32, v12  }
0x157: {  	v41 =	vor.u32 $0x9, v1;
	v40 =	vld.idx.msk [tilespmem:v33+s15+$0x0], $0xffff  }
0x158: {  	v42 =	vld.idx.msk [tilespmem:v35+s14+$0x0], $0xffff;
	v2 =	vadd.f32 v3, v2;
	v3 =	vmul.f32 v34, v13  }
0x159: {  	v44 =	vor.u32 $0xA, v1;
	v43 =	vld.idx.msk [tilespmem:v35+s15+$0x0], $0xffff  }
0x15a: {  	v45 =	vld.idx.msk [tilespmem:v38+s14+$0x0], $0xffff;
	v2 =	vadd.f32 v3, v2;
	v3 =	vmul.f32 v37, v36  }
0x15b: {  	v47 =	vor.u32 $0xB, v1;
	v46 =	vld.idx.msk [tilespmem:v38+s15+$0x0], $0xffff  }
0x15c: {  	v48 =	vld.idx.msk [tilespmem:v41+s14+$0x0], $0xffff;
	v2 =	vadd.f32 v3, v2;
	v3 =	vmul.f32 v40, v39  }
0x15d: {  	v50 =	vor.u32 $0xC, v1;
	v49 =	vld.idx.msk [tilespmem:v41+s15+$0x0], $0xffff  }
0x15e: {  	v51 =	vld.idx.msk [tilespmem:v44+s14+$0x0], $0xffff;
	v2 =	vadd.f32 v3, v2;
	v3 =	vmul.f32 v43, v42  }
0x15f: {  	v53 =	vor.u32 $0xD, v1;
	v52 =	vld.idx.msk [tilespmem:v44+s15+$0x0], $0xffff  }
0x160: {  	v54 =	vld.idx.msk [tilespmem:v47+s14+$0x0], $0xffff;
	v2 =	vadd.f32 v3, v2;
	v3 =	vmul.f32 v46, v45  }
0x161: {  	v56 =	vor.u32 $0xE, v1;
	v55 =	vld.idx.msk [tilespmem:v47+s15+$0x0], $0xffff  }
0x162: {  	v57 =	vld.idx.msk [tilespmem:v50+s14+$0x0], $0xffff;
	v2 =	vadd.f32 v3, v2;
	v3 =	vmul.f32 v49, v48  }
0x163: {  	v59 =	vor.u32 $0xF, v1;
	v58 =	vld.idx.msk [tilespmem:v50+s15+$0x0], $0xffff  }
0x164: {  	v60 =	vld.idx.msk [tilespmem:v53+s14+$0x0], $0xffff;
	v2 =	vadd.f32 v3, v2;
	v3 =	vmul.f32 v52, v51  }
0x165: {  	v62 =	vor.u32 $0x10, v1;
	v61 =	vld.idx.msk [tilespmem:v53+s15+$0x0], $0xffff  }
0x166: {  	v63 =	vld.idx.msk [tilespmem:v56+s14+$0x0], $0xffff;
	v2 =	vadd.f32 v3, v2;
	v3 =	vmul.f32 v55, v54  }
0x167: {  	v17 =	vor.u32 $0x11, v1;
	v16 =	vld.idx.msk [tilespmem:v56+s15+$0x0], $0xffff  }
0x168: {  	v18 =	vld.idx.msk [tilespmem:v59+s14+$0x0], $0xffff;
	v2 =	vadd.f32 v3, v2;
	v3 =	vmul.f32 v58, v57  }
0x169: {  	v20 =	vor.u32 $0x12, v1;
	v19 =	vld.idx.msk [tilespmem:v59+s15+$0x0], $0xffff  }
0x16a: {  	v21 =	vld.idx.msk [tilespmem:v62+s14+$0x0], $0xffff;
	v2 =	vadd.f32 v3, v2;
	v3 =	vmul.f32 v61, v60  }
0x16b: {  	v23 =	vor.u32 $0x13, v1;
	v22 =	vld.idx.msk [tilespmem:v62+s15+$0x0], $0xffff  }
0x16c: {  	v24 =	vld.idx.msk [tilespmem:v17+s14+$0x0], $0xffff;
	v2 =	vadd.f32 v3, v2;
	v3 =	vmul.f32 v16, v63  }
0x16d: {  	v26 =	vor.u32 $0x14, v1;
	v25 =	vld.idx.msk [tilespmem:v17+s15+$0x0], $0xffff  }
0x16e: {  	v27 =	vld.idx.msk [tilespmem:v20+s14+$0x0], $0xffff;
	v2 =	vadd.f32 v3, v2;
	v3 =	vmul.f32 v19, v18  }
0x16f: {  	v29 =	vor.u32 $0x15, v1;
	v28 =	vld.idx.msk [tilespmem:v20+s15+$0x0], $0xffff  }
0x170: {  	v30 =	vld.idx.msk [tilespmem:v23+s14+$0x0], $0xffff;
	v2 =	vadd.f32 v3, v2;
	v3 =	vmul.f32 v22, v21  }
0x171: {  	v31 =	vld.idx.msk [tilespmem:v23+s15+$0x0], $0xffff;
	v32 =	vor.u32 $0x16, v1  }
0x172: {  	v33 =	vld.idx.msk [tilespmem:v26+s14+$0x0], $0xffff;
	v2 =	vadd.f32 v3, v2;
	v3 =	vmul.f32 v25, v24  }
0x173: {  	v35 =	vor.u32 $0x17, v1;
	v34 =	vld.idx.msk [tilespmem:v26+s15+$0x0], $0xffff  }
0x174: {  	v36 =	vld.idx.msk [tilespmem:v29+s14+$0x0], $0xffff;
	v2 =	vadd.f32 v3, v2;
	v3 =	vmul.f32 v28, v27  }
0x175: {  	v38 =	vor.u32 $0x18, v1;
	v37 =	vld.idx.msk [tilespmem:v29+s15+$0x0], $0xffff  }
0x176: {  	v39 =	vld.idx.msk [tilespmem:v32+s14+$0x0], $0xffff;
	v2 =	vadd.f32 v3, v2;
	v3 =	vmul.f32 v31, v30  }
0x177: {  	v41 =	vor.u32 $0x19, v1;
	v40 =	vld.idx.msk [tilespmem:v32+s15+$0x0], $0xffff  }
0x178: {  	v42 =	vld.idx.msk [tilespmem:v35+s14+$0x0], $0xffff;
	v2 =	vadd.f32 v3, v2;
	v3 =	vmul.f32 v34, v33  }
0x179: {  	v44 =	vor.u32 $0x1A, v1;
	v43 =	vld.idx.msk [tilespmem:v35+s15+$0x0], $0xffff  }
0x17a: {  	v45 =	vld.idx.msk [tilespmem:v38+s14+$0x0], $0xffff;
	v2 =	vadd.f32 v3, v2;
	v3 =	vmul.f32 v37, v36  }
0x17b: {  	v47 =	vor.u32 $0x1B, v1;
	v46 =	vld.idx.msk [tilespmem:v38+s15+$0x0], $0xffff  }
0x17c: {  	v48 =	vld.idx.msk [tilespmem:v41+s14+$0x0], $0xffff;
	v2 =	vadd.f32 v3, v2;
	v3 =	vmul.f32 v40, v39  }
0x17d: {  	v50 =	vor.u32 $0x1C, v1;
	v49 =	vld.idx.msk [tilespmem:v41+s15+$0x0], $0xffff  }
0x17e: {  	v51 =	vld.idx.msk [tilespmem:v44+s14+$0x0], $0xffff;
	v2 =	vadd.f32 v3, v2;
	v3 =	vmul.f32 v43, v42  }
0x17f: {  	v53 =	vor.u32 $0x1D, v1;
	v52 =	vld.idx.msk [tilespmem:v44+s15+$0x0], $0xffff  }
0x180: {  	v54 =	vld.idx.msk [tilespmem:v47+s14+$0x0], $0xffff;
	v2 =	vadd.f32 v3, v2;
	v3 =	vmul.f32 v46, v45  }
0x181: {  	v56 =	vor.u32 $0x1E, v1;
	v55 =	vld.idx.msk [tilespmem:v47+s15+$0x0], $0xffff  }
0x182: {  	v57 =	vld.idx.msk [tilespmem:v50+s14+$0x0], $0xffff;
	v2 =	vadd.f32 v3, v2;
	v3 =	vmul.f32 v49, v48  }
0x183: {  	v1 =	vor.u32 $0x1F, v1;
	v58 =	vld.idx.msk [tilespmem:v50+s15+$0x0], $0xffff  }
0x184: {  	v59 =	vld.idx.msk [tilespmem:v53+s14+$0x0], $0xffff;
	v2 =	vadd.f32 v3, v2;
	v3 =	vmul.f32 v52, v51  }
0x185: {  	v60 =	vld.idx.msk [tilespmem:v53+s15+$0x0], $0xffff  }
0x186: {  	v62 =	vld.idx.msk [tilespmem:v56+s15+$0x0], $0xffff;
	v2 =	vadd.f32 v3, v2;
	v3 =	vmul.f32 v55, v54  }
0x187: {  	v61 =	vld.idx.msk [tilespmem:v56+s14+$0x0], $0xffff  }
0x188: {  	v63 =	vld.idx.msk [tilespmem:v1+s14+$0x0], $0xffff;
	v2 =	vadd.f32 v3, v2;
	v3 =	vmul.f32 v58, v57  }
0x189: {  	v1 =	vld.idx.msk [tilespmem:v1+s15+$0x0], $0xffff  }
0x18a: {  	v2 =	vadd.f32 v3, v2;
	v3 =	vmul.f32 v60, v59;
	_ =	sdelay $0x1  }
0x18b: {  	v2 =	vadd.f32 v3, v2;
	v3 =	vmul.f32 v62, v61;
	_ =	sdelay $0x1  }
0x18c: {  	v1 =	vmul.f32 v1, v63;
	v2 =	vadd.f32 v3, v2;
	_ =	sdelay $0x1  }
0x18d: {  	s19 =	sadd.s32 $0x1, s19;
	v1 =	vadd.f32 v1, v2  }
0x18e: {  	s25 =	sadd.s32 $0x10, s24;
	p0 =	sne.s32 s19, s10  }
.Ltmp1:
0x18f: {  	[tilespmem:s25+$0x0] =	vst v1;
	(pc) =	sbr.rel @p0 .LBB2_1-.Ltmp1, $4  }
0x190: {  	[hbm4b:s9+s3] =	stream.linear.scatter [tilespmem:s18], [sflag:$0x2], $0x200, $0x38;
	[tilespmem:$0x8A00] =	vst v63  }
0x191: {  	_ =	swait.ge [sflag:s11], $0x200  }
0x192: {  	[sflag:s11] =	ssyncset.done $0x0  }
0x193: {  	[sflag:s11] =	ssyncadd.s32 $0xFFFFFE00  }
0x194: {  	_ =	sfence.sel $0x180000  }
0x195: {  	[bflag:$0x0] =	sbarrier.arrive $0xFFFF  }
0x196: {  	_ =	strace $0x90000047  }
0x197: {  	s0 =	stileid.u32;
	[bflag:$0x2] =	sbarrier.arrive $0xFFFF  }
0x198: {  	p0 =	sne.s32 s0, $0x0;
	s0 =	rddreg [dreg:$0x6]  }
0x199: {  	s0 =	sadd.s32 @!p0 $0x100000, s0  }
0x19a: {  	[sflag:s0] =	ssyncadd.tile.s32 @!p0 $0x1;
	_ =	shalt  }
.Lfunc_end2:
_tile_overlayer_lowered:
.L_overlay_start_2:
0x19b: {  	(tag) =	ssettag $0x2  }
0x19c: {  	s0 =	rddreg [dreg:$0x0];
	s2 =	stileid.u32  }
0x19d: {  	s1 =	rddreg [dreg:$0x1];
	p0 =	sne.s32 s2, $0x0  }
0x19e: {  	s3 =	rddreg [dreg:$0x2];
	[bflag:$0x3] =	sbarrier.arrive $0xFFFF;
	s2 =	simm.s32 @!p0 $0x1C02  }
0x19f: {  	[timem:s3], [sflag:s2] =	dma.local @!p0 [hbm:s0], s1  }
0x1a0: {  	s0 =	simm.s32 @!p0 $0x2  }
0x1a1: {  	_ =	swait.ge @!p0 [sflag:s0], s1  }
0x1a2: {  	s1 =	ssub.s32 @!p0 $0x0, s1;
	[sflag:s0] =	ssyncset.done @!p0 $0x0  }
0x1a3: {  	[sflag:s0] =	ssyncadd.s32 @!p0 s1  }
0x1a4: {  	[bflag:$0x3] =	sbarrier.arrive $0xFFFF  }
0x1a5: {  	_ =	shalt  }

</sc_bundles>
